<compile_context>
chip_gen: v7x
topology: tpu7x:2x2x1
jax: 0.10.2.dev20260603
libtpu: 0.0.44.dev20260713+nightly
codegen_flags: <defaults>
</compile_context>

<pallas_src>
import jax
import jax.numpy as jnp
from jax import lax
from jax.experimental import pallas as pl
from jax.experimental.pallas import tpu as pltpu
from jax.experimental.pallas import tpu_sc as plsc

_BATCH = 16384
_ED = 32
_NC = 2
_NS = 16
_NW = _NC * _NS
_BPW = _BATCH // _NW
_CHUNK = 128
_NCH = _BPW // _CHUNK

_PBLK = 4096
_UG = 31 * _PBLK
_MG = 4 * _PBLK


def _pack_body(*refs):
  out_ref = refs[-1]
  xs = refs[:-1]
  eye = jnp.eye(128, dtype=jnp.float32)
  hi = jnp.concatenate([x[0:16, :] for x in xs], axis=0)
  lo = jnp.concatenate([x[16:32, :] for x in xs], axis=0)
  yh = jax.lax.dot_general(hi, eye, (((0,), (0,)), ((), ())),
                           preferred_element_type=jnp.float32)
  yl = jax.lax.dot_general(lo, eye, (((0,), (0,)), ((), ())),
                           preferred_element_type=jnp.float32)
  uh = jax.lax.bitcast_convert_type(yh.astype(jnp.bfloat16),
                                    jnp.uint16).astype(jnp.uint32)
  ul = jax.lax.bitcast_convert_type(yl.astype(jnp.bfloat16),
                                    jnp.uint16).astype(jnp.uint32)
  out_ref[...] = jax.lax.bitcast_convert_type((uh << 16) | ul, jnp.float32)


def _make_pack(n_grid, n_cols):
  last = (n_cols - 1) // _PBLK

  def spec(a):
    return pl.BlockSpec(
        (_ED, _PBLK), lambda i, a=a: (0, jnp.minimum(a * n_grid + i, last)))
  return pl.pallas_call(
      _pack_body,
      grid=(n_grid,),
      in_specs=[spec(a) for a in range(8)],
      out_specs=pl.BlockSpec((_PBLK, 128), lambda i: (i, 0)),
      out_shape=jax.ShapeDtypeStruct((n_grid * _PBLK, 128), jnp.float32),
      compiler_params=pltpu.CompilerParams(
          dimension_semantics=("arbitrary",)),
  )


_pack_u = _make_pack(_UG // _PBLK, 1000001)
_pack_m = _make_pack(_MG // _PBLK, 100001)


def _gather_body(g_hbm, tab_hbm, out_hbm, idx_v, rows_v, sem):
  wid = lax.axis_index("s") * _NC + lax.axis_index("c")
  base = wid * _BPW
  pltpu.sync_copy(g_hbm.at[wid], idx_v)
  for k in range(_NCH):
    pltpu.async_copy(tab_hbm.at[idx_v.at[k]],
                     rows_v.at[pl.ds(k * _CHUNK, _CHUNK)], sem)
  for k in range(_NCH):
    pltpu.make_async_copy(tab_hbm.at[idx_v.at[k]],
                          rows_v.at[pl.ds(k * _CHUNK, _CHUNK)], sem).wait()
  pltpu.sync_copy(rows_v, out_hbm.at[pl.ds(base, _BPW)])


_gather = pl.kernel(
    _gather_body,
    mesh=plsc.VectorSubcoreMesh(core_axis_name="c", subcore_axis_name="s"),
    out_type=jax.ShapeDtypeStruct((_BATCH, 128), jnp.float32),
    scratch_types=[
        pltpu.VMEM((_NCH, _CHUNK), jnp.int32),
        pltpu.VMEM((_BPW, 128), jnp.float32),
        pltpu.SemaphoreType.DMA,
    ],
    compiler_params=pltpu.CompilerParams(use_tc_tiling_on_sc=True),
)


_BLK = 2048


def _unpack(x, sel):
  lane_q = jax.lax.broadcasted_iota(jnp.int32, (_BLK, 128), 1) // 16
  m = jnp.where(lane_q == sel, x, 0.0)
  ui = jax.lax.bitcast_convert_type(m, jnp.uint32)
  a = jax.lax.bitcast_convert_type(ui & jnp.uint32(0xFFFF0000), jnp.float32)
  b = jax.lax.bitcast_convert_type(ui << 16, jnp.float32)
  return a, b


def _mlp_body(ue128_ref, me128_ref, usel_ref, msel_ref,
              wua_ref, wub_ref, wma_ref, wmb_ref, b1_ref, w2_ref, b2_ref,
              w3_ref, b3_ref, out_ref):
  ua, ub = _unpack(ue128_ref[...], usel_ref[...])
  ma, mb = _unpack(me128_ref[...], msel_ref[...])
  h = (jnp.dot(ua, wua_ref[...], preferred_element_type=jnp.float32)
       + jnp.dot(ub, wub_ref[...], preferred_element_type=jnp.float32)
       + jnp.dot(ma, wma_ref[...], preferred_element_type=jnp.float32)
       + jnp.dot(mb, wmb_ref[...], preferred_element_type=jnp.float32)
       + b1_ref[...])
  h = jnp.maximum(h, 0.0)
  h = jnp.dot(h, w2_ref[...], preferred_element_type=jnp.float32) + b2_ref[...]
  h = jnp.maximum(h, 0.0)
  out_ref[...] = (
      jax.lax.dot_general(w3_ref[...], h, (((0,), (1,)), ((), ())),
                          preferred_element_type=jnp.float32) + b3_ref[...])


_mlp = pl.pallas_call(
    _mlp_body,
    grid=(_BATCH // _BLK,),
    in_specs=[
        pl.BlockSpec((_BLK, 128), lambda i: (i, 0)),
        pl.BlockSpec((_BLK, 128), lambda i: (i, 0)),
        pl.BlockSpec((_BLK, 1), lambda i: (i, 0)),
        pl.BlockSpec((_BLK, 1), lambda i: (i, 0)),
        pl.BlockSpec((128, 256), lambda i: (0, 0)),
        pl.BlockSpec((128, 256), lambda i: (0, 0)),
        pl.BlockSpec((128, 256), lambda i: (0, 0)),
        pl.BlockSpec((128, 256), lambda i: (0, 0)),
        pl.BlockSpec((1, 256), lambda i: (0, 0)),
        pl.BlockSpec((256, 64), lambda i: (0, 0)),
        pl.BlockSpec((1, 64), lambda i: (0, 0)),
        pl.BlockSpec((64, 1), lambda i: (0, 0)),
        pl.BlockSpec((1, 1), lambda i: (0, 0)),
    ],
    out_specs=pl.BlockSpec((1, _BLK), lambda i: (0, i)),
    out_shape=jax.ShapeDtypeStruct((1, _BATCH), jnp.float32),
)


@jax.jit
def kernel(user_id, movie_title, user_table, movie_table, W1, b1, W2, b2, W3,
           b3):
  uid = user_id.astype(jnp.int32)
  mid = movie_title.astype(jnp.int32)
  mt_p = _pack_m(*([movie_table.T] * 8))
  mg = (mid % _MG).reshape(_NW, _NCH, _CHUNK)
  me128 = _gather(mg, mt_p)
  ut_p = _pack_u(*([user_table.T] * 8))
  ug = (uid % _UG).reshape(_NW, _NCH, _CHUNK)
  ue128 = _gather(ug, ut_p)
  usel = (uid // _UG).reshape(_BATCH, 1)
  msel = (mid // _MG).reshape(_BATCH, 1)
  wua = jnp.tile(W1[0:16], (8, 1))
  wub = jnp.tile(W1[16:32], (8, 1))
  wma = jnp.tile(W1[32:48], (8, 1))
  wmb = jnp.tile(W1[48:64], (8, 1))
  out = _mlp(ue128, me128, usel, msel, wua, wub, wma, wmb,
             b1.reshape(1, 256), W2, b2.reshape(1, 64), W3, b3.reshape(1, 1))
  return out.reshape(_BATCH, 1)

# --- scband reference (transcript-rebuilt; emitter-appended) ---
"""Pipeline reference for scband-ranking-model-80668075753948 (READ-ONLY COPY).

The authoritative reference and input builder live on the scoring server;
editing this copy changes nothing except your own understanding.
"""

import jax, jax.numpy as jnp
import numpy as np

NUM_USERS = 1000000
NUM_MOVIES = 100000
EMBED_DIM = 32
BATCH = 16384

def setup_inputs(seed: int = 0) -> dict:
    key = jax.random.key(seed)
    k_uid, k_mid, k_ut, k_mt, k_w1, k_b1, k_w2, k_b2, k_w3, k_b3 = [jax.random.fold_in(key, i) for i in range(10)]
    user_id = jax.random.randint(k_uid, (BATCH,), 0, NUM_USERS + 1, dtype=jnp.int64 if jax.config.jax_enable_x64 else jnp.int32)
    movie_title = jax.random.randint(k_mid, (BATCH,), 0, NUM_MOVIES + 1, dtype=jnp.int64 if jax.config.jax_enable_x64 else jnp.int32)
    user_table = jax.random.normal(k_ut, (NUM_USERS + 1, EMBED_DIM), dtype=jnp.float32) * 0.05
    movie_table = jax.random.normal(k_mt, (NUM_MOVIES + 1, EMBED_DIM), dtype=jnp.float32) * 0.05
    W1 = jax.random.normal(k_w1, (2 * EMBED_DIM, 256), dtype=jnp.float32) * (1.0 / np.sqrt(2 * EMBED_DIM))
    b1 = jnp.zeros((256,), dtype=jnp.float32)
    W2 = jax.random.normal(k_w2, (256, 64), dtype=jnp.float32) * (1.0 / np.sqrt(256))
    b2 = jnp.zeros((64,), dtype=jnp.float32)
    W3 = jax.random.normal(k_w3, (64, 1), dtype=jnp.float32) * (1.0 / np.sqrt(64))
    b3 = jnp.zeros((1,), dtype=jnp.float32)
    return {"user_id": user_id, "movie_title": movie_title, "user_table": user_table, "movie_table": movie_table, "W1": W1, "b1": b1, "W2": W2, "b2": b2, "W3": W3, "b3": b3}

def reference(user_id, movie_title, user_table, movie_table, W1, b1, W2, b2, W3, b3):
    # StringLookup is modeled as pre-computed integer ids; Embedding -> gather
    user_embedding = jnp.take(user_table, user_id, axis=0)
    movie_embedding = jnp.take(movie_table, movie_title, axis=0)
    x = jnp.concatenate([user_embedding, movie_embedding], axis=1)
    h = jax.nn.relu(x @ W1 + b1)
    h = jax.nn.relu(h @ W2 + b2)
    out = h @ W3 + b3
    return out

if __name__ == "__main__":
    import jax
    _d = setup_inputs()
    print(jax.jit(kernel)(*tuple(_d.values())))

</pallas_src>

<mosaic_0001>
#map = affine_map<(d0, d1) -> (0, 0, 0)>
#map1 = affine_map<(d0, d1) -> (0, 0)>
module attributes {stable_mosaic.version = 14 : i64} {
  func.func @_gather_body(%arg0: i32, %arg1: i32, %arg2: memref<32x4x128xi32, #tpu.memory_space<hbm>>, %arg3: memref<126976x128xf32, #tpu.memory_space<hbm>>, %arg4: memref<16384x128xf32, #tpu.memory_space<hbm>>, %arg5: memref<4x128xi32, #tpu.memory_space<vmem>>, %arg6: memref<512x128xf32, #tpu.memory_space<vmem>>, %arg7: memref<!tpu.dma_semaphore, #tpu.memory_space<semaphore_mem>>) attributes {dimension_semantics = [#tpu.dimension_semantics<core_parallel>, #tpu.dimension_semantics<subcore_parallel>], iteration_bounds = array<i64: 2, 16>, scalar_prefetch = 0 : i64, scratch_operands = 3 : i64, tpu.core_type = #tpu.core_type<sc_vector_subcore>, window_params = [{transform_indices = #map}, {transform_indices = #map1}, {transform_indices = #map1}]} {
    %mul3A = arith.constant 2 : i32
    %mul3A_0 = arith.muli %arg1, %mul3A : i32
    %add3A = arith.addi %mul3A_0, %arg0 : i32
    %mul3A_1 = arith.constant 512 : i32
    %mul3A_2 = arith.muli %add3A, %mul3A_1 : i32
    "tpu.region"() ({
      %run_scoped3A = tpu.sem_alloc : memref<!tpu.dma_semaphore, #tpu.memory_space<semaphore_mem>>
      %dma_start3A_81 = arith.constant 0 : i32
      %dma_start3A_82 = arith.constant 0 : i32
      %dma_start3A_83 = tpu.memref_slice %arg2[%add3A, %dma_start3A_81, %dma_start3A_82] : memref<32x4x128xi32, #tpu.memory_space<hbm>> -> memref<1x4x128xi32, #tpu.memory_space<hbm>>
      %dma_start3A_84 = tpu.memref_squeeze %dma_start3A_83 : memref<1x4x128xi32, #tpu.memory_space<hbm>> -> memref<4x128xi32, #tpu.memory_space<hbm>>
      %dma_start3A_85 = arith.constant 0 : i32
      %dma_start3A_86 = arith.constant 0 : i32
      %dma_start3A_87 = tpu.memref_slice %arg2[%add3A, %dma_start3A_85, %dma_start3A_86] : memref<32x4x128xi32, #tpu.memory_space<hbm>> -> memref<1x4x128xi32, #tpu.memory_space<hbm>>
      %dma_start3A_88 = tpu.memref_squeeze %dma_start3A_87 : memref<1x4x128xi32, #tpu.memory_space<hbm>> -> memref<4x128xi32, #tpu.memory_space<hbm>>
      tpu.enqueue_dma source(%dma_start3A_88 : memref<4x128xi32, #tpu.memory_space<hbm>>) target(%arg5 : memref<4x128xi32, #tpu.memory_space<vmem>>) target_semaphore(%run_scoped3A : memref<!tpu.dma_semaphore, #tpu.memory_space<semaphore_mem>>)
      %dma_wait3A_89 = arith.constant 0 : i32
      %dma_wait3A_90 = arith.constant 0 : i32
      %dma_wait3A_91 = tpu.memref_slice %arg2[%add3A, %dma_wait3A_89, %dma_wait3A_90] : memref<32x4x128xi32, #tpu.memory_space<hbm>> -> memref<1x4x128xi32, #tpu.memory_space<hbm>>
      %dma_wait3A_92 = tpu.memref_squeeze %dma_wait3A_91 : memref<1x4x128xi32, #tpu.memory_space<hbm>> -> memref<4x128xi32, #tpu.memory_space<hbm>>
      %dma_wait3A_93 = arith.constant 0 : i32
      %dma_wait3A_94 = arith.constant 0 : i32
      %dma_wait3A_95 = tpu.memref_slice %arg2[%add3A, %dma_wait3A_93, %dma_wait3A_94] : memref<32x4x128xi32, #tpu.memory_space<hbm>> -> memref<1x4x128xi32, #tpu.memory_space<hbm>>
      %dma_wait3A_96 = tpu.memref_squeeze %dma_wait3A_95 : memref<1x4x128xi32, #tpu.memory_space<hbm>> -> memref<4x128xi32, #tpu.memory_space<hbm>>
      tpu.wait_dma2 semaphore(%run_scoped3A : memref<!tpu.dma_semaphore, #tpu.memory_space<semaphore_mem>>) src(%dma_wait3A_96 : memref<4x128xi32, #tpu.memory_space<hbm>>) dst(%arg5 : memref<4x128xi32, #tpu.memory_space<vmem>>)
      tpu.yield
    }) : () -> ()
    %dma_start3A = arith.constant 0 : i32
    %dma_start3A_3 = arith.constant 0 : i32
    %dma_start3A_4 = arith.constant 0 : i32
    %dma_start3A_5 = tpu.memref_slice %arg6[%dma_start3A_3, %dma_start3A_4] : memref<512x128xf32, #tpu.memory_space<vmem>> -> memref<128x128xf32, #tpu.memory_space<vmem>>
    %dma_start3A_6 = arith.constant 0 : i32
    %dma_start3A_7 = tpu.memref_slice %arg5[%dma_start3A, %dma_start3A_6] : memref<4x128xi32, #tpu.memory_space<vmem>> -> memref<1x128xi32, #tpu.memory_space<vmem>>
    %dma_start3A_8 = tpu.memref_squeeze %dma_start3A_7 : memref<1x128xi32, #tpu.memory_space<vmem>> -> memref<128xi32, #tpu.memory_space<vmem>>
    %dma_start3A_9 = arith.constant 0 : i32
    %dma_start3A_10 = arith.constant 0 : i32
    %dma_start3A_11 = tpu.memref_slice %arg3[%dma_start3A_9, %dma_start3A_10] : memref<126976x128xf32, #tpu.memory_space<hbm>> -> memref<126976x128xf32, #tpu.memory_space<hbm>>
    tpu.enqueue_indirect_dma source(%dma_start3A_11 : memref<126976x128xf32, #tpu.memory_space<hbm>>) target(%dma_start3A_5 : memref<128x128xf32, #tpu.memory_space<vmem>>) offsets(%dma_start3A_8 : memref<128xi32, #tpu.memory_space<vmem>>) semaphore(%arg7 : memref<!tpu.dma_semaphore, #tpu.memory_space<semaphore_mem>>)
    %dma_start3A_12 = arith.constant 1 : i32
    %dma_start3A_13 = arith.constant 128 : i32
    %dma_start3A_14 = arith.constant 0 : i32
    %dma_start3A_15 = tpu.memref_slice %arg6[%dma_start3A_13, %dma_start3A_14] : memref<512x128xf32, #tpu.memory_space<vmem>> -> memref<128x128xf32, #tpu.memory_space<vmem>>
    %dma_start3A_16 = arith.constant 0 : i32
    %dma_start3A_17 = tpu.memref_slice %arg5[%dma_start3A_12, %dma_start3A_16] : memref<4x128xi32, #tpu.memory_space<vmem>> -> memref<1x128xi32, #tpu.memory_space<vmem>>
    %dma_start3A_18 = tpu.memref_squeeze %dma_start3A_17 : memref<1x128xi32, #tpu.memory_space<vmem>> -> memref<128xi32, #tpu.memory_space<vmem>>
    %dma_start3A_19 = arith.constant 0 : i32
    %dma_start3A_20 = arith.constant 0 : i32
    %dma_start3A_21 = tpu.memref_slice %arg3[%dma_start3A_19, %dma_start3A_20] : memref<126976x128xf32, #tpu.memory_space<hbm>> -> memref<126976x128xf32, #tpu.memory_space<hbm>>
    tpu.enqueue_indirect_dma source(%dma_start3A_21 : memref<126976x128xf32, #tpu.memory_space<hbm>>) target(%dma_start3A_15 : memref<128x128xf32, #tpu.memory_space<vmem>>) offsets(%dma_start3A_18 : memref<128xi32, #tpu.memory_space<vmem>>) semaphore(%arg7 : memref<!tpu.dma_semaphore, #tpu.memory_space<semaphore_mem>>)
    %dma_start3A_22 = arith.constant 2 : i32
    %dma_start3A_23 = arith.constant 256 : i32
    %dma_start3A_24 = arith.constant 0 : i32
    %dma_start3A_25 = tpu.memref_slice %arg6[%dma_start3A_23, %dma_start3A_24] : memref<512x128xf32, #tpu.memory_space<vmem>> -> memref<128x128xf32, #tpu.memory_space<vmem>>
    %dma_start3A_26 = arith.constant 0 : i32
    %dma_start3A_27 = tpu.memref_slice %arg5[%dma_start3A_22, %dma_start3A_26] : memref<4x128xi32, #tpu.memory_space<vmem>> -> memref<1x128xi32, #tpu.memory_space<vmem>>
    %dma_start3A_28 = tpu.memref_squeeze %dma_start3A_27 : memref<1x128xi32, #tpu.memory_space<vmem>> -> memref<128xi32, #tpu.memory_space<vmem>>
    %dma_start3A_29 = arith.constant 0 : i32
    %dma_start3A_30 = arith.constant 0 : i32
    %dma_start3A_31 = tpu.memref_slice %arg3[%dma_start3A_29, %dma_start3A_30] : memref<126976x128xf32, #tpu.memory_space<hbm>> -> memref<126976x128xf32, #tpu.memory_space<hbm>>
    tpu.enqueue_indirect_dma source(%dma_start3A_31 : memref<126976x128xf32, #tpu.memory_space<hbm>>) target(%dma_start3A_25 : memref<128x128xf32, #tpu.memory_space<vmem>>) offsets(%dma_start3A_28 : memref<128xi32, #tpu.memory_space<vmem>>) semaphore(%arg7 : memref<!tpu.dma_semaphore, #tpu.memory_space<semaphore_mem>>)
    %dma_start3A_32 = arith.constant 3 : i32
    %dma_start3A_33 = arith.constant 384 : i32
    %dma_start3A_34 = arith.constant 0 : i32
    %dma_start3A_35 = tpu.memref_slice %arg6[%dma_start3A_33, %dma_start3A_34] : memref<512x128xf32, #tpu.memory_space<vmem>> -> memref<128x128xf32, #tpu.memory_space<vmem>>
    %dma_start3A_36 = arith.constant 0 : i32
    %dma_start3A_37 = tpu.memref_slice %arg5[%dma_start3A_32, %dma_start3A_36] : memref<4x128xi32, #tpu.memory_space<vmem>> -> memref<1x128xi32, #tpu.memory_space<vmem>>
    %dma_start3A_38 = tpu.memref_squeeze %dma_start3A_37 : memref<1x128xi32, #tpu.memory_space<vmem>> -> memref<128xi32, #tpu.memory_space<vmem>>
    %dma_start3A_39 = arith.constant 0 : i32
    %dma_start3A_40 = arith.constant 0 : i32
    %dma_start3A_41 = tpu.memref_slice %arg3[%dma_start3A_39, %dma_start3A_40] : memref<126976x128xf32, #tpu.memory_space<hbm>> -> memref<126976x128xf32, #tpu.memory_space<hbm>>
    tpu.enqueue_indirect_dma source(%dma_start3A_41 : memref<126976x128xf32, #tpu.memory_space<hbm>>) target(%dma_start3A_35 : memref<128x128xf32, #tpu.memory_space<vmem>>) offsets(%dma_start3A_38 : memref<128xi32, #tpu.memory_space<vmem>>) semaphore(%arg7 : memref<!tpu.dma_semaphore, #tpu.memory_space<semaphore_mem>>)
    %dma_wait3A = arith.constant 0 : i32
    %dma_wait3A_42 = arith.constant 0 : i32
    %dma_wait3A_43 = arith.constant 0 : i32
    %dma_wait3A_44 = tpu.memref_slice %arg6[%dma_wait3A_42, %dma_wait3A_43] : memref<512x128xf32, #tpu.memory_space<vmem>> -> memref<128x128xf32, #tpu.memory_space<vmem>>
    %dma_wait3A_45 = arith.constant 0 : i32
    %dma_wait3A_46 = tpu.memref_slice %arg5[%dma_wait3A, %dma_wait3A_45] : memref<4x128xi32, #tpu.memory_space<vmem>> -> memref<1x128xi32, #tpu.memory_space<vmem>>
    %dma_wait3A_47 = tpu.memref_squeeze %dma_wait3A_46 : memref<1x128xi32, #tpu.memory_space<vmem>> -> memref<128xi32, #tpu.memory_space<vmem>>
    %dma_wait3A_48 = arith.constant 0 : i32
    %dma_wait3A_49 = arith.constant 0 : i32
    %dma_wait3A_50 = tpu.memref_slice %arg3[%dma_wait3A_48, %dma_wait3A_49] : memref<126976x128xf32, #tpu.memory_space<hbm>> -> memref<126976x128xf32, #tpu.memory_space<hbm>>
    tpu.wait_indirect_dma semaphore(%arg7 : memref<!tpu.dma_semaphore, #tpu.memory_space<semaphore_mem>>) src(%dma_wait3A_50 : memref<126976x128xf32, #tpu.memory_space<hbm>>) dst(%dma_wait3A_44 : memref<128x128xf32, #tpu.memory_space<vmem>>)
    %dma_wait3A_51 = arith.constant 1 : i32
    %dma_wait3A_52 = arith.constant 128 : i32
    %dma_wait3A_53 = arith.constant 0 : i32
    %dma_wait3A_54 = tpu.memref_slice %arg6[%dma_wait3A_52, %dma_wait3A_53] : memref<512x128xf32, #tpu.memory_space<vmem>> -> memref<128x128xf32, #tpu.memory_space<vmem>>
    %dma_wait3A_55 = arith.constant 0 : i32
    %dma_wait3A_56 = tpu.memref_slice %arg5[%dma_wait3A_51, %dma_wait3A_55] : memref<4x128xi32, #tpu.memory_space<vmem>> -> memref<1x128xi32, #tpu.memory_space<vmem>>
    %dma_wait3A_57 = tpu.memref_squeeze %dma_wait3A_56 : memref<1x128xi32, #tpu.memory_space<vmem>> -> memref<128xi32, #tpu.memory_space<vmem>>
    %dma_wait3A_58 = arith.constant 0 : i32
    %dma_wait3A_59 = arith.constant 0 : i32
    %dma_wait3A_60 = tpu.memref_slice %arg3[%dma_wait3A_58, %dma_wait3A_59] : memref<126976x128xf32, #tpu.memory_space<hbm>> -> memref<126976x128xf32, #tpu.memory_space<hbm>>
    tpu.wait_indirect_dma semaphore(%arg7 : memref<!tpu.dma_semaphore, #tpu.memory_space<semaphore_mem>>) src(%dma_wait3A_60 : memref<126976x128xf32, #tpu.memory_space<hbm>>) dst(%dma_wait3A_54 : memref<128x128xf32, #tpu.memory_space<vmem>>)
    %dma_wait3A_61 = arith.constant 2 : i32
    %dma_wait3A_62 = arith.constant 256 : i32
    %dma_wait3A_63 = arith.constant 0 : i32
    %dma_wait3A_64 = tpu.memref_slice %arg6[%dma_wait3A_62, %dma_wait3A_63] : memref<512x128xf32, #tpu.memory_space<vmem>> -> memref<128x128xf32, #tpu.memory_space<vmem>>
    %dma_wait3A_65 = arith.constant 0 : i32
    %dma_wait3A_66 = tpu.memref_slice %arg5[%dma_wait3A_61, %dma_wait3A_65] : memref<4x128xi32, #tpu.memory_space<vmem>> -> memref<1x128xi32, #tpu.memory_space<vmem>>
    %dma_wait3A_67 = tpu.memref_squeeze %dma_wait3A_66 : memref<1x128xi32, #tpu.memory_space<vmem>> -> memref<128xi32, #tpu.memory_space<vmem>>
    %dma_wait3A_68 = arith.constant 0 : i32
    %dma_wait3A_69 = arith.constant 0 : i32
    %dma_wait3A_70 = tpu.memref_slice %arg3[%dma_wait3A_68, %dma_wait3A_69] : memref<126976x128xf32, #tpu.memory_space<hbm>> -> memref<126976x128xf32, #tpu.memory_space<hbm>>
    tpu.wait_indirect_dma semaphore(%arg7 : memref<!tpu.dma_semaphore, #tpu.memory_space<semaphore_mem>>) src(%dma_wait3A_70 : memref<126976x128xf32, #tpu.memory_space<hbm>>) dst(%dma_wait3A_64 : memref<128x128xf32, #tpu.memory_space<vmem>>)
    %dma_wait3A_71 = arith.constant 3 : i32
    %dma_wait3A_72 = arith.constant 384 : i32
    %dma_wait3A_73 = arith.constant 0 : i32
    %dma_wait3A_74 = tpu.memref_slice %arg6[%dma_wait3A_72, %dma_wait3A_73] : memref<512x128xf32, #tpu.memory_space<vmem>> -> memref<128x128xf32, #tpu.memory_space<vmem>>
    %dma_wait3A_75 = arith.constant 0 : i32
    %dma_wait3A_76 = tpu.memref_slice %arg5[%dma_wait3A_71, %dma_wait3A_75] : memref<4x128xi32, #tpu.memory_space<vmem>> -> memref<1x128xi32, #tpu.memory_space<vmem>>
    %dma_wait3A_77 = tpu.memref_squeeze %dma_wait3A_76 : memref<1x128xi32, #tpu.memory_space<vmem>> -> memref<128xi32, #tpu.memory_space<vmem>>
    %dma_wait3A_78 = arith.constant 0 : i32
    %dma_wait3A_79 = arith.constant 0 : i32
    %dma_wait3A_80 = tpu.memref_slice %arg3[%dma_wait3A_78, %dma_wait3A_79] : memref<126976x128xf32, #tpu.memory_space<hbm>> -> memref<126976x128xf32, #tpu.memory_space<hbm>>
    tpu.wait_indirect_dma semaphore(%arg7 : memref<!tpu.dma_semaphore, #tpu.memory_space<semaphore_mem>>) src(%dma_wait3A_80 : memref<126976x128xf32, #tpu.memory_space<hbm>>) dst(%dma_wait3A_74 : memref<128x128xf32, #tpu.memory_space<vmem>>)
    "tpu.region"() ({
      %run_scoped3A = tpu.sem_alloc : memref<!tpu.dma_semaphore, #tpu.memory_space<semaphore_mem>>
      %dma_start3A_81 = arith.constant 0 : i32
      %dma_start3A_82 = tpu.memref_slice %arg4[%mul3A_2, %dma_start3A_81] : memref<16384x128xf32, #tpu.memory_space<hbm>> -> memref<512x128xf32, #tpu.memory_space<hbm>>
      %dma_start3A_83 = arith.constant 0 : i32
      %dma_start3A_84 = tpu.memref_slice %arg4[%mul3A_2, %dma_start3A_83] : memref<16384x128xf32, #tpu.memory_space<hbm>> -> memref<512x128xf32, #tpu.memory_space<hbm>>
      tpu.enqueue_dma source(%arg6 : memref<512x128xf32, #tpu.memory_space<vmem>>) target(%dma_start3A_84 : memref<512x128xf32, #tpu.memory_space<hbm>>) target_semaphore(%run_scoped3A : memref<!tpu.dma_semaphore, #tpu.memory_space<semaphore_mem>>)
      %dma_wait3A_85 = arith.constant 0 : i32
      %dma_wait3A_86 = tpu.memref_slice %arg4[%mul3A_2, %dma_wait3A_85] : memref<16384x128xf32, #tpu.memory_space<hbm>> -> memref<512x128xf32, #tpu.memory_space<hbm>>
      %dma_wait3A_87 = arith.constant 0 : i32
      %dma_wait3A_88 = tpu.memref_slice %arg4[%mul3A_2, %dma_wait3A_87] : memref<16384x128xf32, #tpu.memory_space<hbm>> -> memref<512x128xf32, #tpu.memory_space<hbm>>
      tpu.wait_dma2 semaphore(%run_scoped3A : memref<!tpu.dma_semaphore, #tpu.memory_space<semaphore_mem>>) src(%arg6 : memref<512x128xf32, #tpu.memory_space<vmem>>) dst(%dma_wait3A_88 : memref<512x128xf32, #tpu.memory_space<hbm>>)
      tpu.yield
    }) : () -> ()
    return
  }
}

#map = affine_map<(d0, d1) -> (0, 0, 0)>
#map1 = affine_map<(d0, d1) -> (0, 0)>
module attributes {stable_mosaic.version = 14 : i64} {
  func.func @_gather_body(%arg0: i32, %arg1: i32, %arg2: memref<32x4x128xi32, #tpu.memory_space<hbm>>, %arg3: memref<16384x128xf32, #tpu.memory_space<hbm>>, %arg4: memref<16384x128xf32, #tpu.memory_space<hbm>>, %arg5: memref<4x128xi32, #tpu.memory_space<vmem>>, %arg6: memref<512x128xf32, #tpu.memory_space<vmem>>, %arg7: memref<!tpu.dma_semaphore, #tpu.memory_space<semaphore_mem>>) attributes {dimension_semantics = [#tpu.dimension_semantics<core_parallel>, #tpu.dimension_semantics<subcore_parallel>], iteration_bounds = array<i64: 2, 16>, scalar_prefetch = 0 : i64, scratch_operands = 3 : i64, tpu.core_type = #tpu.core_type<sc_vector_subcore>, window_params = [{transform_indices = #map}, {transform_indices = #map1}, {transform_indices = #map1}]} {
    %mul3A = arith.constant 2 : i32
    %mul3A_0 = arith.muli %arg1, %mul3A : i32
    %add3A = arith.addi %mul3A_0, %arg0 : i32
    %mul3A_1 = arith.constant 512 : i32
    %mul3A_2 = arith.muli %add3A, %mul3A_1 : i32
    "tpu.region"() ({
      %run_scoped3A = tpu.sem_alloc : memref<!tpu.dma_semaphore, #tpu.memory_space<semaphore_mem>>
      %dma_start3A_81 = arith.constant 0 : i32
      %dma_start3A_82 = arith.constant 0 : i32
      %dma_start3A_83 = tpu.memref_slice %arg2[%add3A, %dma_start3A_81, %dma_start3A_82] : memref<32x4x128xi32, #tpu.memory_space<hbm>> -> memref<1x4x128xi32, #tpu.memory_space<hbm>>
      %dma_start3A_84 = tpu.memref_squeeze %dma_start3A_83 : memref<1x4x128xi32, #tpu.memory_space<hbm>> -> memref<4x128xi32, #tpu.memory_space<hbm>>
      %dma_start3A_85 = arith.constant 0 : i32
      %dma_start3A_86 = arith.constant 0 : i32
      %dma_start3A_87 = tpu.memref_slice %arg2[%add3A, %dma_start3A_85, %dma_start3A_86] : memref<32x4x128xi32, #tpu.memory_space<hbm>> -> memref<1x4x128xi32, #tpu.memory_space<hbm>>
      %dma_start3A_88 = tpu.memref_squeeze %dma_start3A_87 : memref<1x4x128xi32, #tpu.memory_space<hbm>> -> memref<4x128xi32, #tpu.memory_space<hbm>>
      tpu.enqueue_dma source(%dma_start3A_88 : memref<4x128xi32, #tpu.memory_space<hbm>>) target(%arg5 : memref<4x128xi32, #tpu.memory_space<vmem>>) target_semaphore(%run_scoped3A : memref<!tpu.dma_semaphore, #tpu.memory_space<semaphore_mem>>)
      %dma_wait3A_89 = arith.constant 0 : i32
      %dma_wait3A_90 = arith.constant 0 : i32
      %dma_wait3A_91 = tpu.memref_slice %arg2[%add3A, %dma_wait3A_89, %dma_wait3A_90] : memref<32x4x128xi32, #tpu.memory_space<hbm>> -> memref<1x4x128xi32, #tpu.memory_space<hbm>>
      %dma_wait3A_92 = tpu.memref_squeeze %dma_wait3A_91 : memref<1x4x128xi32, #tpu.memory_space<hbm>> -> memref<4x128xi32, #tpu.memory_space<hbm>>
      %dma_wait3A_93 = arith.constant 0 : i32
      %dma_wait3A_94 = arith.constant 0 : i32
      %dma_wait3A_95 = tpu.memref_slice %arg2[%add3A, %dma_wait3A_93, %dma_wait3A_94] : memref<32x4x128xi32, #tpu.memory_space<hbm>> -> memref<1x4x128xi32, #tpu.memory_space<hbm>>
      %dma_wait3A_96 = tpu.memref_squeeze %dma_wait3A_95 : memref<1x4x128xi32, #tpu.memory_space<hbm>> -> memref<4x128xi32, #tpu.memory_space<hbm>>
      tpu.wait_dma2 semaphore(%run_scoped3A : memref<!tpu.dma_semaphore, #tpu.memory_space<semaphore_mem>>) src(%dma_wait3A_96 : memref<4x128xi32, #tpu.memory_space<hbm>>) dst(%arg5 : memref<4x128xi32, #tpu.memory_space<vmem>>)
      tpu.yield
    }) : () -> ()
    %dma_start3A = arith.constant 0 : i32
    %dma_start3A_3 = arith.constant 0 : i32
    %dma_start3A_4 = arith.constant 0 : i32
    %dma_start3A_5 = tpu.memref_slice %arg6[%dma_start3A_3, %dma_start3A_4] : memref<512x128xf32, #tpu.memory_space<vmem>> -> memref<128x128xf32, #tpu.memory_space<vmem>>
    %dma_start3A_6 = arith.constant 0 : i32
    %dma_start3A_7 = tpu.memref_slice %arg5[%dma_start3A, %dma_start3A_6] : memref<4x128xi32, #tpu.memory_space<vmem>> -> memref<1x128xi32, #tpu.memory_space<vmem>>
    %dma_start3A_8 = tpu.memref_squeeze %dma_start3A_7 : memref<1x128xi32, #tpu.memory_space<vmem>> -> memref<128xi32, #tpu.memory_space<vmem>>
    %dma_start3A_9 = arith.constant 0 : i32
    %dma_start3A_10 = arith.constant 0 : i32
    %dma_start3A_11 = tpu.memref_slice %arg3[%dma_start3A_9, %dma_start3A_10] : memref<16384x128xf32, #tpu.memory_space<hbm>> -> memref<16384x128xf32, #tpu.memory_space<hbm>>
    tpu.enqueue_indirect_dma source(%dma_start3A_11 : memref<16384x128xf32, #tpu.memory_space<hbm>>) target(%dma_start3A_5 : memref<128x128xf32, #tpu.memory_space<vmem>>) offsets(%dma_start3A_8 : memref<128xi32, #tpu.memory_space<vmem>>) semaphore(%arg7 : memref<!tpu.dma_semaphore, #tpu.memory_space<semaphore_mem>>)
    %dma_start3A_12 = arith.constant 1 : i32
    %dma_start3A_13 = arith.constant 128 : i32
    %dma_start3A_14 = arith.constant 0 : i32
    %dma_start3A_15 = tpu.memref_slice %arg6[%dma_start3A_13, %dma_start3A_14] : memref<512x128xf32, #tpu.memory_space<vmem>> -> memref<128x128xf32, #tpu.memory_space<vmem>>
    %dma_start3A_16 = arith.constant 0 : i32
    %dma_start3A_17 = tpu.memref_slice %arg5[%dma_start3A_12, %dma_start3A_16] : memref<4x128xi32, #tpu.memory_space<vmem>> -> memref<1x128xi32, #tpu.memory_space<vmem>>
    %dma_start3A_18 = tpu.memref_squeeze %dma_start3A_17 : memref<1x128xi32, #tpu.memory_space<vmem>> -> memref<128xi32, #tpu.memory_space<vmem>>
    %dma_start3A_19 = arith.constant 0 : i32
    %dma_start3A_20 = arith.constant 0 : i32
    %dma_start3A_21 = tpu.memref_slice %arg3[%dma_start3A_19, %dma_start3A_20] : memref<16384x128xf32, #tpu.memory_space<hbm>> -> memref<16384x128xf32, #tpu.memory_space<hbm>>
    tpu.enqueue_indirect_dma source(%dma_start3A_21 : memref<16384x128xf32, #tpu.memory_space<hbm>>) target(%dma_start3A_15 : memref<128x128xf32, #tpu.memory_space<vmem>>) offsets(%dma_start3A_18 : memref<128xi32, #tpu.memory_space<vmem>>) semaphore(%arg7 : memref<!tpu.dma_semaphore, #tpu.memory_space<semaphore_mem>>)
    %dma_start3A_22 = arith.constant 2 : i32
    %dma_start3A_23 = arith.constant 256 : i32
    %dma_start3A_24 = arith.constant 0 : i32
    %dma_start3A_25 = tpu.memref_slice %arg6[%dma_start3A_23, %dma_start3A_24] : memref<512x128xf32, #tpu.memory_space<vmem>> -> memref<128x128xf32, #tpu.memory_space<vmem>>
    %dma_start3A_26 = arith.constant 0 : i32
    %dma_start3A_27 = tpu.memref_slice %arg5[%dma_start3A_22, %dma_start3A_26] : memref<4x128xi32, #tpu.memory_space<vmem>> -> memref<1x128xi32, #tpu.memory_space<vmem>>
    %dma_start3A_28 = tpu.memref_squeeze %dma_start3A_27 : memref<1x128xi32, #tpu.memory_space<vmem>> -> memref<128xi32, #tpu.memory_space<vmem>>
    %dma_start3A_29 = arith.constant 0 : i32
    %dma_start3A_30 = arith.constant 0 : i32
    %dma_start3A_31 = tpu.memref_slice %arg3[%dma_start3A_29, %dma_start3A_30] : memref<16384x128xf32, #tpu.memory_space<hbm>> -> memref<16384x128xf32, #tpu.memory_space<hbm>>
    tpu.enqueue_indirect_dma source(%dma_start3A_31 : memref<16384x128xf32, #tpu.memory_space<hbm>>) target(%dma_start3A_25 : memref<128x128xf32, #tpu.memory_space<vmem>>) offsets(%dma_start3A_28 : memref<128xi32, #tpu.memory_space<vmem>>) semaphore(%arg7 : memref<!tpu.dma_semaphore, #tpu.memory_space<semaphore_mem>>)
    %dma_start3A_32 = arith.constant 3 : i32
    %dma_start3A_33 = arith.constant 384 : i32
    %dma_start3A_34 = arith.constant 0 : i32
    %dma_start3A_35 = tpu.memref_slice %arg6[%dma_start3A_33, %dma_start3A_34] : memref<512x128xf32, #tpu.memory_space<vmem>> -> memref<128x128xf32, #tpu.memory_space<vmem>>
    %dma_start3A_36 = arith.constant 0 : i32
    %dma_start3A_37 = tpu.memref_slice %arg5[%dma_start3A_32, %dma_start3A_36] : memref<4x128xi32, #tpu.memory_space<vmem>> -> memref<1x128xi32, #tpu.memory_space<vmem>>
    %dma_start3A_38 = tpu.memref_squeeze %dma_start3A_37 : memref<1x128xi32, #tpu.memory_space<vmem>> -> memref<128xi32, #tpu.memory_space<vmem>>
    %dma_start3A_39 = arith.constant 0 : i32
    %dma_start3A_40 = arith.constant 0 : i32
    %dma_start3A_41 = tpu.memref_slice %arg3[%dma_start3A_39, %dma_start3A_40] : memref<16384x128xf32, #tpu.memory_space<hbm>> -> memref<16384x128xf32, #tpu.memory_space<hbm>>
    tpu.enqueue_indirect_dma source(%dma_start3A_41 : memref<16384x128xf32, #tpu.memory_space<hbm>>) target(%dma_start3A_35 : memref<128x128xf32, #tpu.memory_space<vmem>>) offsets(%dma_start3A_38 : memref<128xi32, #tpu.memory_space<vmem>>) semaphore(%arg7 : memref<!tpu.dma_semaphore, #tpu.memory_space<semaphore_mem>>)
    %dma_wait3A = arith.constant 0 : i32
    %dma_wait3A_42 = arith.constant 0 : i32
    %dma_wait3A_43 = arith.constant 0 : i32
    %dma_wait3A_44 = tpu.memref_slice %arg6[%dma_wait3A_42, %dma_wait3A_43] : memref<512x128xf32, #tpu.memory_space<vmem>> -> memref<128x128xf32, #tpu.memory_space<vmem>>
    %dma_wait3A_45 = arith.constant 0 : i32
    %dma_wait3A_46 = tpu.memref_slice %arg5[%dma_wait3A, %dma_wait3A_45] : memref<4x128xi32, #tpu.memory_space<vmem>> -> memref<1x128xi32, #tpu.memory_space<vmem>>
    %dma_wait3A_47 = tpu.memref_squeeze %dma_wait3A_46 : memref<1x128xi32, #tpu.memory_space<vmem>> -> memref<128xi32, #tpu.memory_space<vmem>>
    %dma_wait3A_48 = arith.constant 0 : i32
    %dma_wait3A_49 = arith.constant 0 : i32
    %dma_wait3A_50 = tpu.memref_slice %arg3[%dma_wait3A_48, %dma_wait3A_49] : memref<16384x128xf32, #tpu.memory_space<hbm>> -> memref<16384x128xf32, #tpu.memory_space<hbm>>
    tpu.wait_indirect_dma semaphore(%arg7 : memref<!tpu.dma_semaphore, #tpu.memory_space<semaphore_mem>>) src(%dma_wait3A_50 : memref<16384x128xf32, #tpu.memory_space<hbm>>) dst(%dma_wait3A_44 : memref<128x128xf32, #tpu.memory_space<vmem>>)
    %dma_wait3A_51 = arith.constant 1 : i32
    %dma_wait3A_52 = arith.constant 128 : i32
    %dma_wait3A_53 = arith.constant 0 : i32
    %dma_wait3A_54 = tpu.memref_slice %arg6[%dma_wait3A_52, %dma_wait3A_53] : memref<512x128xf32, #tpu.memory_space<vmem>> -> memref<128x128xf32, #tpu.memory_space<vmem>>
    %dma_wait3A_55 = arith.constant 0 : i32
    %dma_wait3A_56 = tpu.memref_slice %arg5[%dma_wait3A_51, %dma_wait3A_55] : memref<4x128xi32, #tpu.memory_space<vmem>> -> memref<1x128xi32, #tpu.memory_space<vmem>>
    %dma_wait3A_57 = tpu.memref_squeeze %dma_wait3A_56 : memref<1x128xi32, #tpu.memory_space<vmem>> -> memref<128xi32, #tpu.memory_space<vmem>>
    %dma_wait3A_58 = arith.constant 0 : i32
    %dma_wait3A_59 = arith.constant 0 : i32
    %dma_wait3A_60 = tpu.memref_slice %arg3[%dma_wait3A_58, %dma_wait3A_59] : memref<16384x128xf32, #tpu.memory_space<hbm>> -> memref<16384x128xf32, #tpu.memory_space<hbm>>
    tpu.wait_indirect_dma semaphore(%arg7 : memref<!tpu.dma_semaphore, #tpu.memory_space<semaphore_mem>>) src(%dma_wait3A_60 : memref<16384x128xf32, #tpu.memory_space<hbm>>) dst(%dma_wait3A_54 : memref<128x128xf32, #tpu.memory_space<vmem>>)
    %dma_wait3A_61 = arith.constant 2 : i32
    %dma_wait3A_62 = arith.constant 256 : i32
    %dma_wait3A_63 = arith.constant 0 : i32
    %dma_wait3A_64 = tpu.memref_slice %arg6[%dma_wait3A_62, %dma_wait3A_63] : memref<512x128xf32, #tpu.memory_space<vmem>> -> memref<128x128xf32, #tpu.memory_space<vmem>>
    %dma_wait3A_65 = arith.constant 0 : i32
    %dma_wait3A_66 = tpu.memref_slice %arg5[%dma_wait3A_61, %dma_wait3A_65] : memref<4x128xi32, #tpu.memory_space<vmem>> -> memref<1x128xi32, #tpu.memory_space<vmem>>
    %dma_wait3A_67 = tpu.memref_squeeze %dma_wait3A_66 : memref<1x128xi32, #tpu.memory_space<vmem>> -> memref<128xi32, #tpu.memory_space<vmem>>
    %dma_wait3A_68 = arith.constant 0 : i32
    %dma_wait3A_69 = arith.constant 0 : i32
    %dma_wait3A_70 = tpu.memref_slice %arg3[%dma_wait3A_68, %dma_wait3A_69] : memref<16384x128xf32, #tpu.memory_space<hbm>> -> memref<16384x128xf32, #tpu.memory_space<hbm>>
    tpu.wait_indirect_dma semaphore(%arg7 : memref<!tpu.dma_semaphore, #tpu.memory_space<semaphore_mem>>) src(%dma_wait3A_70 : memref<16384x128xf32, #tpu.memory_space<hbm>>) dst(%dma_wait3A_64 : memref<128x128xf32, #tpu.memory_space<vmem>>)
    %dma_wait3A_71 = arith.constant 3 : i32
    %dma_wait3A_72 = arith.constant 384 : i32
    %dma_wait3A_73 = arith.constant 0 : i32
    %dma_wait3A_74 = tpu.memref_slice %arg6[%dma_wait3A_72, %dma_wait3A_73] : memref<512x128xf32, #tpu.memory_space<vmem>> -> memref<128x128xf32, #tpu.memory_space<vmem>>
    %dma_wait3A_75 = arith.constant 0 : i32
    %dma_wait3A_76 = tpu.memref_slice %arg5[%dma_wait3A_71, %dma_wait3A_75] : memref<4x128xi32, #tpu.memory_space<vmem>> -> memref<1x128xi32, #tpu.memory_space<vmem>>
    %dma_wait3A_77 = tpu.memref_squeeze %dma_wait3A_76 : memref<1x128xi32, #tpu.memory_space<vmem>> -> memref<128xi32, #tpu.memory_space<vmem>>
    %dma_wait3A_78 = arith.constant 0 : i32
    %dma_wait3A_79 = arith.constant 0 : i32
    %dma_wait3A_80 = tpu.memref_slice %arg3[%dma_wait3A_78, %dma_wait3A_79] : memref<16384x128xf32, #tpu.memory_space<hbm>> -> memref<16384x128xf32, #tpu.memory_space<hbm>>
    tpu.wait_indirect_dma semaphore(%arg7 : memref<!tpu.dma_semaphore, #tpu.memory_space<semaphore_mem>>) src(%dma_wait3A_80 : memref<16384x128xf32, #tpu.memory_space<hbm>>) dst(%dma_wait3A_74 : memref<128x128xf32, #tpu.memory_space<vmem>>)
    "tpu.region"() ({
      %run_scoped3A = tpu.sem_alloc : memref<!tpu.dma_semaphore, #tpu.memory_space<semaphore_mem>>
      %dma_start3A_81 = arith.constant 0 : i32
      %dma_start3A_82 = tpu.memref_slice %arg4[%mul3A_2, %dma_start3A_81] : memref<16384x128xf32, #tpu.memory_space<hbm>> -> memref<512x128xf32, #tpu.memory_space<hbm>>
      %dma_start3A_83 = arith.constant 0 : i32
      %dma_start3A_84 = tpu.memref_slice %arg4[%mul3A_2, %dma_start3A_83] : memref<16384x128xf32, #tpu.memory_space<hbm>> -> memref<512x128xf32, #tpu.memory_space<hbm>>
      tpu.enqueue_dma source(%arg6 : memref<512x128xf32, #tpu.memory_space<vmem>>) target(%dma_start3A_84 : memref<512x128xf32, #tpu.memory_space<hbm>>) target_semaphore(%run_scoped3A : memref<!tpu.dma_semaphore, #tpu.memory_space<semaphore_mem>>)
      %dma_wait3A_85 = arith.constant 0 : i32
      %dma_wait3A_86 = tpu.memref_slice %arg4[%mul3A_2, %dma_wait3A_85] : memref<16384x128xf32, #tpu.memory_space<hbm>> -> memref<512x128xf32, #tpu.memory_space<hbm>>
      %dma_wait3A_87 = arith.constant 0 : i32
      %dma_wait3A_88 = tpu.memref_slice %arg4[%mul3A_2, %dma_wait3A_87] : memref<16384x128xf32, #tpu.memory_space<hbm>> -> memref<512x128xf32, #tpu.memory_space<hbm>>
      tpu.wait_dma2 semaphore(%run_scoped3A : memref<!tpu.dma_semaphore, #tpu.memory_space<semaphore_mem>>) src(%arg6 : memref<512x128xf32, #tpu.memory_space<vmem>>) dst(%dma_wait3A_88 : memref<512x128xf32, #tpu.memory_space<hbm>>)
      tpu.yield
    }) : () -> ()
    return
  }
}

module attributes {stable_mosaic.version = 14 : i64} {
  func.func @_pack_body(%arg0: i32, %arg1: memref<32x4096xf32, #tpu.memory_space<vmem>>, %arg2: memref<32x4096xf32, #tpu.memory_space<vmem>>, %arg3: memref<32x4096xf32, #tpu.memory_space<vmem>>, %arg4: memref<32x4096xf32, #tpu.memory_space<vmem>>, %arg5: memref<32x4096xf32, #tpu.memory_space<vmem>>, %arg6: memref<32x4096xf32, #tpu.memory_space<vmem>>, %arg7: memref<32x4096xf32, #tpu.memory_space<vmem>>, %arg8: memref<32x4096xf32, #tpu.memory_space<vmem>>, %arg9: memref<4096x128xf32, #tpu.memory_space<vmem>>) attributes {dimension_semantics = [#tpu.dimension_semantics<arbitrary>], iteration_bounds = array<i64: 4>, scalar_prefetch = 0 : i64, scratch_operands = 0 : i64, tpu.core_type = #tpu.core_type<tc>, window_params = [{transform_indices = @transform_0, window_bounds = array<i64: 32, 4096>}, {transform_indices = @transform_1, window_bounds = array<i64: 32, 4096>}, {transform_indices = @transform_2, window_bounds = array<i64: 32, 4096>}, {transform_indices = @transform_3, window_bounds = array<i64: 32, 4096>}, {transform_indices = @transform_4, window_bounds = array<i64: 32, 4096>}, {transform_indices = @transform_5, window_bounds = array<i64: 32, 4096>}, {transform_indices = @transform_6, window_bounds = array<i64: 32, 4096>}, {transform_indices = @transform_7, window_bounds = array<i64: 32, 4096>}, {transform_indices = @transform_8, window_bounds = array<i64: 4096, 128>}]} {
    %iota3A = tpu.iota {dimensions = array<i32: 0>} : vector<128x128xi32>
    %iota3A_0 = tpu.iota {dimensions = array<i32: 1>} : vector<128x128xi32>
    %add3A = arith.constant 0 : i32
    %add3A_1 = vector.broadcast %add3A : i32 to vector<128x128xi32>
    %add3A_2 = arith.addi %iota3A, %add3A_1 : vector<128x128xi32>
    %eq3A = arith.cmpi eq, %add3A_2, %iota3A_0 : vector<128x128xi32>
    %convert_element_type3A = arith.extui %eq3A : vector<128x128xi1> to vector<128x128xi32>
    %convert_element_type3A_3 = arith.sitofp %convert_element_type3A : vector<128x128xi32> to vector<128x128xf32>
    %get3A = arith.constant 0 : index
    %get3A_4 = arith.constant 0 : index
    %get3A_5 = vector.load %arg1[%get3A, %get3A_4] : memref<32x4096xf32, #tpu.memory_space<vmem>>, vector<16x4096xf32>
    %get3A_6 = arith.constant 0 : index
    %get3A_7 = arith.constant 0 : index
    %get3A_8 = vector.load %arg2[%get3A_6, %get3A_7] : memref<32x4096xf32, #tpu.memory_space<vmem>>, vector<16x4096xf32>
    %get3A_9 = arith.constant 0 : index
    %get3A_10 = arith.constant 0 : index
    %get3A_11 = vector.load %arg3[%get3A_9, %get3A_10] : memref<32x4096xf32, #tpu.memory_space<vmem>>, vector<16x4096xf32>
    %get3A_12 = arith.constant 0 : index
    %get3A_13 = arith.constant 0 : index
    %get3A_14 = vector.load %arg4[%get3A_12, %get3A_13] : memref<32x4096xf32, #tpu.memory_space<vmem>>, vector<16x4096xf32>
    %get3A_15 = arith.constant 0 : index
    %get3A_16 = arith.constant 0 : index
    %get3A_17 = vector.load %arg5[%get3A_15, %get3A_16] : memref<32x4096xf32, #tpu.memory_space<vmem>>, vector<16x4096xf32>
    %get3A_18 = arith.constant 0 : index
    %get3A_19 = arith.constant 0 : index
    %get3A_20 = vector.load %arg6[%get3A_18, %get3A_19] : memref<32x4096xf32, #tpu.memory_space<vmem>>, vector<16x4096xf32>
    %get3A_21 = arith.constant 0 : index
    %get3A_22 = arith.constant 0 : index
    %get3A_23 = vector.load %arg7[%get3A_21, %get3A_22] : memref<32x4096xf32, #tpu.memory_space<vmem>>, vector<16x4096xf32>
    %get3A_24 = arith.constant 0 : index
    %get3A_25 = arith.constant 0 : index
    %get3A_26 = vector.load %arg8[%get3A_24, %get3A_25] : memref<32x4096xf32, #tpu.memory_space<vmem>>, vector<16x4096xf32>
    %concatenate3A = tpu.concatenate %get3A_5, %get3A_8, %get3A_11, %get3A_14, %get3A_17, %get3A_20, %get3A_23, %get3A_26 in 0 : vector<16x4096xf32>, vector<16x4096xf32>, vector<16x4096xf32>, vector<16x4096xf32>, vector<16x4096xf32>, vector<16x4096xf32>, vector<16x4096xf32>, vector<16x4096xf32> -> vector<128x4096xf32>
    %get3A_27 = arith.constant 16 : index
    %get3A_28 = arith.constant 0 : index
    %get3A_29 = vector.load %arg1[%get3A_27, %get3A_28] : memref<32x4096xf32, #tpu.memory_space<vmem>>, vector<16x4096xf32>
    %get3A_30 = arith.constant 16 : index
    %get3A_31 = arith.constant 0 : index
    %get3A_32 = vector.load %arg2[%get3A_30, %get3A_31] : memref<32x4096xf32, #tpu.memory_space<vmem>>, vector<16x4096xf32>
    %get3A_33 = arith.constant 16 : index
    %get3A_34 = arith.constant 0 : index
    %get3A_35 = vector.load %arg3[%get3A_33, %get3A_34] : memref<32x4096xf32, #tpu.memory_space<vmem>>, vector<16x4096xf32>
    %get3A_36 = arith.constant 16 : index
    %get3A_37 = arith.constant 0 : index
    %get3A_38 = vector.load %arg4[%get3A_36, %get3A_37] : memref<32x4096xf32, #tpu.memory_space<vmem>>, vector<16x4096xf32>
    %get3A_39 = arith.constant 16 : index
    %get3A_40 = arith.constant 0 : index
    %get3A_41 = vector.load %arg5[%get3A_39, %get3A_40] : memref<32x4096xf32, #tpu.memory_space<vmem>>, vector<16x4096xf32>
    %get3A_42 = arith.constant 16 : index
    %get3A_43 = arith.constant 0 : index
    %get3A_44 = vector.load %arg6[%get3A_42, %get3A_43] : memref<32x4096xf32, #tpu.memory_space<vmem>>, vector<16x4096xf32>
    %get3A_45 = arith.constant 16 : index
    %get3A_46 = arith.constant 0 : index
    %get3A_47 = vector.load %arg7[%get3A_45, %get3A_46] : memref<32x4096xf32, #tpu.memory_space<vmem>>, vector<16x4096xf32>
    %get3A_48 = arith.constant 16 : index
    %get3A_49 = arith.constant 0 : index
    %get3A_50 = vector.load %arg8[%get3A_48, %get3A_49] : memref<32x4096xf32, #tpu.memory_space<vmem>>, vector<16x4096xf32>
    %concatenate3A_51 = tpu.concatenate %get3A_29, %get3A_32, %get3A_35, %get3A_38, %get3A_41, %get3A_44, %get3A_47, %get3A_50 in 0 : vector<16x4096xf32>, vector<16x4096xf32>, vector<16x4096xf32>, vector<16x4096xf32>, vector<16x4096xf32>, vector<16x4096xf32>, vector<16x4096xf32>, vector<16x4096xf32> -> vector<128x4096xf32>
    %dot_general3A = arith.constant dense<0.000000e+00> : vector<4096x128xf32>
    %dot_general3A_52 = tpu.matmul %concatenate3A, %convert_element_type3A_3, %dot_general3A {dimension_numbers = #tpu.dot_dimension_numbers<[0], [0], [1], [1], [0, 1, 1, 1], [], []>, transpose_lhs_hint = false} : vector<128x4096xf32>, vector<128x128xf32>, vector<4096x128xf32> -> vector<4096x128xf32>
    %dot_general3A_53 = arith.constant dense<0.000000e+00> : vector<4096x128xf32>
    %dot_general3A_54 = tpu.matmul %concatenate3A_51, %convert_element_type3A_3, %dot_general3A_53 {dimension_numbers = #tpu.dot_dimension_numbers<[0], [0], [1], [1], [0, 1, 1, 1], [], []>, transpose_lhs_hint = false} : vector<128x4096xf32>, vector<128x128xf32>, vector<4096x128xf32> -> vector<4096x128xf32>
    %convert_element_type3A_55 = arith.truncf %dot_general3A_52 : vector<4096x128xf32> to vector<4096x128xbf16>
    %bitcast_convert_type3A = tpu.bitcast %convert_element_type3A_55 : vector<4096x128xbf16> -> vector<4096x128xi16>
    %convert_element_type3A_56 = arith.extui %bitcast_convert_type3A : vector<4096x128xi16> to vector<4096x128xi32>
    %convert_element_type3A_57 = arith.truncf %dot_general3A_54 : vector<4096x128xf32> to vector<4096x128xbf16>
    %bitcast_convert_type3A_58 = tpu.bitcast %convert_element_type3A_57 : vector<4096x128xbf16> -> vector<4096x128xi16>
    %convert_element_type3A_59 = arith.extui %bitcast_convert_type3A_58 : vector<4096x128xi16> to vector<4096x128xi32>
    %shift_left3A = arith.constant 16 : i32
    %shift_left3A_60 = vector.broadcast %shift_left3A : i32 to vector<4096x128xi32>
    %shift_left3A_61 = arith.shli %convert_element_type3A_56, %shift_left3A_60 : vector<4096x128xi32>
    %or3A = arith.ori %shift_left3A_61, %convert_element_type3A_59 : vector<4096x128xi32>
    %bitcast_convert_type3A_62 = tpu.bitcast %or3A : vector<4096x128xi32> -> vector<4096x128xf32>
    %swap3A = arith.constant 0 : index
    %swap3A_63 = arith.constant 0 : index
    %swap3A_64 = vector.load %arg9[%swap3A, %swap3A_63] : memref<4096x128xf32, #tpu.memory_space<vmem>>, vector<4096x128xf32>
    tpu.vector_store %arg9[%swap3A, %swap3A_63], %bitcast_convert_type3A_62 {strides = array<i32>} : memref<4096x128xf32, #tpu.memory_space<vmem>>, vector<4096x128xf32>,
    return
  }
  func.func @transform_0(%arg0: i32) -> (i32, i32) {
    %add3A = arith.constant 0 : i32
    %add3A_0 = arith.addi %add3A, %arg0 : i32
    %min3A = arith.constant 24 : i32
    %min3A_1 = arith.minsi %add3A_0, %min3A : i32
    %c0_i32 = arith.constant 0 : i32
    %c0_i32_2 = arith.constant 0 : i32
    return %c0_i32, %min3A_1 : i32, i32
  }
  func.func @transform_1(%arg0: i32) -> (i32, i32) {
    %add3A = arith.constant 4 : i32
    %add3A_0 = arith.addi %add3A, %arg0 : i32
    %min3A = arith.constant 24 : i32
    %min3A_1 = arith.minsi %add3A_0, %min3A : i32
    %c0_i32 = arith.constant 0 : i32
    %c0_i32_2 = arith.constant 0 : i32
    return %c0_i32, %min3A_1 : i32, i32
  }
  func.func @transform_2(%arg0: i32) -> (i32, i32) {
    %add3A = arith.constant 8 : i32
    %add3A_0 = arith.addi %add3A, %arg0 : i32
    %min3A = arith.constant 24 : i32
    %min3A_1 = arith.minsi %add3A_0, %min3A : i32
    %c0_i32 = arith.constant 0 : i32
    %c0_i32_2 = arith.constant 0 : i32
    return %c0_i32, %min3A_1 : i32, i32
  }
  func.func @transform_3(%arg0: i32) -> (i32, i32) {
    %add3A = arith.constant 12 : i32
    %add3A_0 = arith.addi %add3A, %arg0 : i32
    %min3A = arith.constant 24 : i32
    %min3A_1 = arith.minsi %add3A_0, %min3A : i32
    %c0_i32 = arith.constant 0 : i32
    %c0_i32_2 = arith.constant 0 : i32
    return %c0_i32, %min3A_1 : i32, i32
  }
  func.func @transform_4(%arg0: i32) -> (i32, i32) {
    %add3A = arith.constant 16 : i32
    %add3A_0 = arith.addi %add3A, %arg0 : i32
    %min3A = arith.constant 24 : i32
    %min3A_1 = arith.minsi %add3A_0, %min3A : i32
    %c0_i32 = arith.constant 0 : i32
    %c0_i32_2 = arith.constant 0 : i32
    return %c0_i32, %min3A_1 : i32, i32
  }
  func.func @transform_5(%arg0: i32) -> (i32, i32) {
    %add3A = arith.constant 20 : i32
    %add3A_0 = arith.addi %add3A, %arg0 : i32
    %min3A = arith.constant 24 : i32
    %min3A_1 = arith.minsi %add3A_0, %min3A : i32
    %c0_i32 = arith.constant 0 : i32
    %c0_i32_2 = arith.constant 0 : i32
    return %c0_i32, %min3A_1 : i32, i32
  }
  func.func @transform_6(%arg0: i32) -> (i32, i32) {
    %add3A = arith.constant 24 : i32
    %add3A_0 = arith.addi %add3A, %arg0 : i32
    %min3A = arith.constant 24 : i32
    %min3A_1 = arith.minsi %add3A_0, %min3A : i32
    %c0_i32 = arith.constant 0 : i32
    %c0_i32_2 = arith.constant 0 : i32
    return %c0_i32, %min3A_1 : i32, i32
  }
  func.func @transform_7(%arg0: i32) -> (i32, i32) {
    %add3A = arith.constant 28 : i32
    %add3A_0 = arith.addi %add3A, %arg0 : i32
    %min3A = arith.constant 24 : i32
    %min3A_1 = arith.minsi %add3A_0, %min3A : i32
    %c0_i32 = arith.constant 0 : i32
    %c0_i32_2 = arith.constant 0 : i32
    return %c0_i32, %min3A_1 : i32, i32
  }
  func.func @transform_8(%arg0: i32) -> (i32, i32) {
    %c0_i32 = arith.constant 0 : i32
    %c0_i32_0 = arith.constant 0 : i32
    return %arg0, %c0_i32 : i32, i32
  }
}

module attributes {stable_mosaic.version = 14 : i64} {
  func.func @_pack_body(%arg0: i32, %arg1: memref<32x4096xf32, #tpu.memory_space<vmem>>, %arg2: memref<32x4096xf32, #tpu.memory_space<vmem>>, %arg3: memref<32x4096xf32, #tpu.memory_space<vmem>>, %arg4: memref<32x4096xf32, #tpu.memory_space<vmem>>, %arg5: memref<32x4096xf32, #tpu.memory_space<vmem>>, %arg6: memref<32x4096xf32, #tpu.memory_space<vmem>>, %arg7: memref<32x4096xf32, #tpu.memory_space<vmem>>, %arg8: memref<32x4096xf32, #tpu.memory_space<vmem>>, %arg9: memref<4096x128xf32, #tpu.memory_space<vmem>>) attributes {dimension_semantics = [#tpu.dimension_semantics<arbitrary>], iteration_bounds = array<i64: 31>, scalar_prefetch = 0 : i64, scratch_operands = 0 : i64, tpu.core_type = #tpu.core_type<tc>, window_params = [{transform_indices = @transform_0, window_bounds = array<i64: 32, 4096>}, {transform_indices = @transform_1, window_bounds = array<i64: 32, 4096>}, {transform_indices = @transform_2, window_bounds = array<i64: 32, 4096>}, {transform_indices = @transform_3, window_bounds = array<i64: 32, 4096>}, {transform_indices = @transform_4, window_bounds = array<i64: 32, 4096>}, {transform_indices = @transform_5, window_bounds = array<i64: 32, 4096>}, {transform_indices = @transform_6, window_bounds = array<i64: 32, 4096>}, {transform_indices = @transform_7, window_bounds = array<i64: 32, 4096>}, {transform_indices = @transform_8, window_bounds = array<i64: 4096, 128>}]} {
    %iota3A = tpu.iota {dimensions = array<i32: 0>} : vector<128x128xi32>
    %iota3A_0 = tpu.iota {dimensions = array<i32: 1>} : vector<128x128xi32>
    %add3A = arith.constant 0 : i32
    %add3A_1 = vector.broadcast %add3A : i32 to vector<128x128xi32>
    %add3A_2 = arith.addi %iota3A, %add3A_1 : vector<128x128xi32>
    %eq3A = arith.cmpi eq, %add3A_2, %iota3A_0 : vector<128x128xi32>
    %convert_element_type3A = arith.extui %eq3A : vector<128x128xi1> to vector<128x128xi32>
    %convert_element_type3A_3 = arith.sitofp %convert_element_type3A : vector<128x128xi32> to vector<128x128xf32>
    %get3A = arith.constant 0 : index
    %get3A_4 = arith.constant 0 : index
    %get3A_5 = vector.load %arg1[%get3A, %get3A_4] : memref<32x4096xf32, #tpu.memory_space<vmem>>, vector<16x4096xf32>
    %get3A_6 = arith.constant 0 : index
    %get3A_7 = arith.constant 0 : index
    %get3A_8 = vector.load %arg2[%get3A_6, %get3A_7] : memref<32x4096xf32, #tpu.memory_space<vmem>>, vector<16x4096xf32>
    %get3A_9 = arith.constant 0 : index
    %get3A_10 = arith.constant 0 : index
    %get3A_11 = vector.load %arg3[%get3A_9, %get3A_10] : memref<32x4096xf32, #tpu.memory_space<vmem>>, vector<16x4096xf32>
    %get3A_12 = arith.constant 0 : index
    %get3A_13 = arith.constant 0 : index
    %get3A_14 = vector.load %arg4[%get3A_12, %get3A_13] : memref<32x4096xf32, #tpu.memory_space<vmem>>, vector<16x4096xf32>
    %get3A_15 = arith.constant 0 : index
    %get3A_16 = arith.constant 0 : index
    %get3A_17 = vector.load %arg5[%get3A_15, %get3A_16] : memref<32x4096xf32, #tpu.memory_space<vmem>>, vector<16x4096xf32>
    %get3A_18 = arith.constant 0 : index
    %get3A_19 = arith.constant 0 : index
    %get3A_20 = vector.load %arg6[%get3A_18, %get3A_19] : memref<32x4096xf32, #tpu.memory_space<vmem>>, vector<16x4096xf32>
    %get3A_21 = arith.constant 0 : index
    %get3A_22 = arith.constant 0 : index
    %get3A_23 = vector.load %arg7[%get3A_21, %get3A_22] : memref<32x4096xf32, #tpu.memory_space<vmem>>, vector<16x4096xf32>
    %get3A_24 = arith.constant 0 : index
    %get3A_25 = arith.constant 0 : index
    %get3A_26 = vector.load %arg8[%get3A_24, %get3A_25] : memref<32x4096xf32, #tpu.memory_space<vmem>>, vector<16x4096xf32>
    %concatenate3A = tpu.concatenate %get3A_5, %get3A_8, %get3A_11, %get3A_14, %get3A_17, %get3A_20, %get3A_23, %get3A_26 in 0 : vector<16x4096xf32>, vector<16x4096xf32>, vector<16x4096xf32>, vector<16x4096xf32>, vector<16x4096xf32>, vector<16x4096xf32>, vector<16x4096xf32>, vector<16x4096xf32> -> vector<128x4096xf32>
    %get3A_27 = arith.constant 16 : index
    %get3A_28 = arith.constant 0 : index
    %get3A_29 = vector.load %arg1[%get3A_27, %get3A_28] : memref<32x4096xf32, #tpu.memory_space<vmem>>, vector<16x4096xf32>
    %get3A_30 = arith.constant 16 : index
    %get3A_31 = arith.constant 0 : index
    %get3A_32 = vector.load %arg2[%get3A_30, %get3A_31] : memref<32x4096xf32, #tpu.memory_space<vmem>>, vector<16x4096xf32>
    %get3A_33 = arith.constant 16 : index
    %get3A_34 = arith.constant 0 : index
    %get3A_35 = vector.load %arg3[%get3A_33, %get3A_34] : memref<32x4096xf32, #tpu.memory_space<vmem>>, vector<16x4096xf32>
    %get3A_36 = arith.constant 16 : index
    %get3A_37 = arith.constant 0 : index
    %get3A_38 = vector.load %arg4[%get3A_36, %get3A_37] : memref<32x4096xf32, #tpu.memory_space<vmem>>, vector<16x4096xf32>
    %get3A_39 = arith.constant 16 : index
    %get3A_40 = arith.constant 0 : index
    %get3A_41 = vector.load %arg5[%get3A_39, %get3A_40] : memref<32x4096xf32, #tpu.memory_space<vmem>>, vector<16x4096xf32>
    %get3A_42 = arith.constant 16 : index
    %get3A_43 = arith.constant 0 : index
    %get3A_44 = vector.load %arg6[%get3A_42, %get3A_43] : memref<32x4096xf32, #tpu.memory_space<vmem>>, vector<16x4096xf32>
    %get3A_45 = arith.constant 16 : index
    %get3A_46 = arith.constant 0 : index
    %get3A_47 = vector.load %arg7[%get3A_45, %get3A_46] : memref<32x4096xf32, #tpu.memory_space<vmem>>, vector<16x4096xf32>
    %get3A_48 = arith.constant 16 : index
    %get3A_49 = arith.constant 0 : index
    %get3A_50 = vector.load %arg8[%get3A_48, %get3A_49] : memref<32x4096xf32, #tpu.memory_space<vmem>>, vector<16x4096xf32>
    %concatenate3A_51 = tpu.concatenate %get3A_29, %get3A_32, %get3A_35, %get3A_38, %get3A_41, %get3A_44, %get3A_47, %get3A_50 in 0 : vector<16x4096xf32>, vector<16x4096xf32>, vector<16x4096xf32>, vector<16x4096xf32>, vector<16x4096xf32>, vector<16x4096xf32>, vector<16x4096xf32>, vector<16x4096xf32> -> vector<128x4096xf32>
    %dot_general3A = arith.constant dense<0.000000e+00> : vector<4096x128xf32>
    %dot_general3A_52 = tpu.matmul %concatenate3A, %convert_element_type3A_3, %dot_general3A {dimension_numbers = #tpu.dot_dimension_numbers<[0], [0], [1], [1], [0, 1, 1, 1], [], []>, transpose_lhs_hint = false} : vector<128x4096xf32>, vector<128x128xf32>, vector<4096x128xf32> -> vector<4096x128xf32>
    %dot_general3A_53 = arith.constant dense<0.000000e+00> : vector<4096x128xf32>
    %dot_general3A_54 = tpu.matmul %concatenate3A_51, %convert_element_type3A_3, %dot_general3A_53 {dimension_numbers = #tpu.dot_dimension_numbers<[0], [0], [1], [1], [0, 1, 1, 1], [], []>, transpose_lhs_hint = false} : vector<128x4096xf32>, vector<128x128xf32>, vector<4096x128xf32> -> vector<4096x128xf32>
    %convert_element_type3A_55 = arith.truncf %dot_general3A_52 : vector<4096x128xf32> to vector<4096x128xbf16>
    %bitcast_convert_type3A = tpu.bitcast %convert_element_type3A_55 : vector<4096x128xbf16> -> vector<4096x128xi16>
    %convert_element_type3A_56 = arith.extui %bitcast_convert_type3A : vector<4096x128xi16> to vector<4096x128xi32>
    %convert_element_type3A_57 = arith.truncf %dot_general3A_54 : vector<4096x128xf32> to vector<4096x128xbf16>
    %bitcast_convert_type3A_58 = tpu.bitcast %convert_element_type3A_57 : vector<4096x128xbf16> -> vector<4096x128xi16>
    %convert_element_type3A_59 = arith.extui %bitcast_convert_type3A_58 : vector<4096x128xi16> to vector<4096x128xi32>
    %shift_left3A = arith.constant 16 : i32
    %shift_left3A_60 = vector.broadcast %shift_left3A : i32 to vector<4096x128xi32>
    %shift_left3A_61 = arith.shli %convert_element_type3A_56, %shift_left3A_60 : vector<4096x128xi32>
    %or3A = arith.ori %shift_left3A_61, %convert_element_type3A_59 : vector<4096x128xi32>
    %bitcast_convert_type3A_62 = tpu.bitcast %or3A : vector<4096x128xi32> -> vector<4096x128xf32>
    %swap3A = arith.constant 0 : index
    %swap3A_63 = arith.constant 0 : index
    %swap3A_64 = vector.load %arg9[%swap3A, %swap3A_63] : memref<4096x128xf32, #tpu.memory_space<vmem>>, vector<4096x128xf32>
    tpu.vector_store %arg9[%swap3A, %swap3A_63], %bitcast_convert_type3A_62 {strides = array<i32>} : memref<4096x128xf32, #tpu.memory_space<vmem>>, vector<4096x128xf32>,
    return
  }
  func.func @transform_0(%arg0: i32) -> (i32, i32) {
    %add3A = arith.constant 0 : i32
    %add3A_0 = arith.addi %add3A, %arg0 : i32
    %min3A = arith.constant 244 : i32
    %min3A_1 = arith.minsi %add3A_0, %min3A : i32
    %c0_i32 = arith.constant 0 : i32
    %c0_i32_2 = arith.constant 0 : i32
    return %c0_i32, %min3A_1 : i32, i32
  }
  func.func @transform_1(%arg0: i32) -> (i32, i32) {
    %add3A = arith.constant 31 : i32
    %add3A_0 = arith.addi %add3A, %arg0 : i32
    %min3A = arith.constant 244 : i32
    %min3A_1 = arith.minsi %add3A_0, %min3A : i32
    %c0_i32 = arith.constant 0 : i32
    %c0_i32_2 = arith.constant 0 : i32
    return %c0_i32, %min3A_1 : i32, i32
  }
  func.func @transform_2(%arg0: i32) -> (i32, i32) {
    %add3A = arith.constant 62 : i32
    %add3A_0 = arith.addi %add3A, %arg0 : i32
    %min3A = arith.constant 244 : i32
    %min3A_1 = arith.minsi %add3A_0, %min3A : i32
    %c0_i32 = arith.constant 0 : i32
    %c0_i32_2 = arith.constant 0 : i32
    return %c0_i32, %min3A_1 : i32, i32
  }
  func.func @transform_3(%arg0: i32) -> (i32, i32) {
    %add3A = arith.constant 93 : i32
    %add3A_0 = arith.addi %add3A, %arg0 : i32
    %min3A = arith.constant 244 : i32
    %min3A_1 = arith.minsi %add3A_0, %min3A : i32
    %c0_i32 = arith.constant 0 : i32
    %c0_i32_2 = arith.constant 0 : i32
    return %c0_i32, %min3A_1 : i32, i32
  }
  func.func @transform_4(%arg0: i32) -> (i32, i32) {
    %add3A = arith.constant 124 : i32
    %add3A_0 = arith.addi %add3A, %arg0 : i32
    %min3A = arith.constant 244 : i32
    %min3A_1 = arith.minsi %add3A_0, %min3A : i32
    %c0_i32 = arith.constant 0 : i32
    %c0_i32_2 = arith.constant 0 : i32
    return %c0_i32, %min3A_1 : i32, i32
  }
  func.func @transform_5(%arg0: i32) -> (i32, i32) {
    %add3A = arith.constant 155 : i32
    %add3A_0 = arith.addi %add3A, %arg0 : i32
    %min3A = arith.constant 244 : i32
    %min3A_1 = arith.minsi %add3A_0, %min3A : i32
    %c0_i32 = arith.constant 0 : i32
    %c0_i32_2 = arith.constant 0 : i32
    return %c0_i32, %min3A_1 : i32, i32
  }
  func.func @transform_6(%arg0: i32) -> (i32, i32) {
    %add3A = arith.constant 186 : i32
    %add3A_0 = arith.addi %add3A, %arg0 : i32
    %min3A = arith.constant 244 : i32
    %min3A_1 = arith.minsi %add3A_0, %min3A : i32
    %c0_i32 = arith.constant 0 : i32
    %c0_i32_2 = arith.constant 0 : i32
    return %c0_i32, %min3A_1 : i32, i32
  }
  func.func @transform_7(%arg0: i32) -> (i32, i32) {
    %add3A = arith.constant 217 : i32
    %add3A_0 = arith.addi %add3A, %arg0 : i32
    %min3A = arith.constant 244 : i32
    %min3A_1 = arith.minsi %add3A_0, %min3A : i32
    %c0_i32 = arith.constant 0 : i32
    %c0_i32_2 = arith.constant 0 : i32
    return %c0_i32, %min3A_1 : i32, i32
  }
  func.func @transform_8(%arg0: i32) -> (i32, i32) {
    %c0_i32 = arith.constant 0 : i32
    %c0_i32_0 = arith.constant 0 : i32
    return %arg0, %c0_i32 : i32, i32
  }
}

module attributes {stable_mosaic.version = 14 : i64} {
  func.func @_mlp_body(%arg0: i32, %arg1: memref<2048x128xf32, #tpu.memory_space<vmem>>, %arg2: memref<2048x128xf32, #tpu.memory_space<vmem>>, %arg3: memref<2048x1xi32, #tpu.memory_space<vmem>>, %arg4: memref<2048x1xi32, #tpu.memory_space<vmem>>, %arg5: memref<128x256xf32, #tpu.memory_space<vmem>>, %arg6: memref<128x256xf32, #tpu.memory_space<vmem>>, %arg7: memref<128x256xf32, #tpu.memory_space<vmem>>, %arg8: memref<128x256xf32, #tpu.memory_space<vmem>>, %arg9: memref<1x256xf32, #tpu.memory_space<vmem>>, %arg10: memref<256x64xf32, #tpu.memory_space<vmem>>, %arg11: memref<1x64xf32, #tpu.memory_space<vmem>>, %arg12: memref<64x1xf32, #tpu.memory_space<vmem>>, %arg13: memref<1x1xf32, #tpu.memory_space<vmem>>, %arg14: memref<1x2048xf32, #tpu.memory_space<vmem>>) attributes {dimension_semantics = [#tpu.dimension_semantics<arbitrary>], iteration_bounds = array<i64: 8>, scalar_prefetch = 0 : i64, scratch_operands = 0 : i64, tpu.core_type = #tpu.core_type<tc>, window_params = [{transform_indices = @transform_0, window_bounds = array<i64: 2048, 128>}, {transform_indices = @transform_1, window_bounds = array<i64: 2048, 128>}, {transform_indices = @transform_2, window_bounds = array<i64: 2048, 1>}, {transform_indices = @transform_3, window_bounds = array<i64: 2048, 1>}, {pipeline_mode = #tpu.pipeline_mode<synchronous>, transform_indices = @transform_4, window_bounds = array<i64: 128, 256>}, {pipeline_mode = #tpu.pipeline_mode<synchronous>, transform_indices = @transform_5, window_bounds = array<i64: 128, 256>}, {pipeline_mode = #tpu.pipeline_mode<synchronous>, transform_indices = @transform_6, window_bounds = array<i64: 128, 256>}, {pipeline_mode = #tpu.pipeline_mode<synchronous>, transform_indices = @transform_7, window_bounds = array<i64: 128, 256>}, {pipeline_mode = #tpu.pipeline_mode<synchronous>, transform_indices = @transform_8, window_bounds = array<i64: 1, 256>}, {pipeline_mode = #tpu.pipeline_mode<synchronous>, transform_indices = @transform_9, window_bounds = array<i64: 256, 64>}, {pipeline_mode = #tpu.pipeline_mode<synchronous>, transform_indices = @transform_10, window_bounds = array<i64: 1, 64>}, {pipeline_mode = #tpu.pipeline_mode<synchronous>, transform_indices = @transform_11, window_bounds = array<i64: 64, 1>}, {pipeline_mode = #tpu.pipeline_mode<synchronous>, transform_indices = @transform_12, window_bounds = array<i64: 1, 1>}, {transform_indices = @transform_13, window_bounds = array<i64: 1, 2048>}]} {
    %get3A = arith.constant 0 : index
    %get3A_0 = arith.constant 0 : index
    %get3A_1 = vector.load %arg1[%get3A, %get3A_0] : memref<2048x128xf32, #tpu.memory_space<vmem>>, vector<2048x128xf32>
    %get3A_2 = arith.constant 0 : index
    %get3A_3 = arith.constant 0 : index
    %get3A_4 = vector.load %arg3[%get3A_2, %get3A_3] : memref<2048x1xi32, #tpu.memory_space<vmem>>, vector<2048x1xi32>
    %iota3A = tpu.iota {dimensions = array<i32: 1>} : vector<2048x128xi32>
    %jit3A = arith.constant 16 : i32
    %div3A = vector.broadcast %jit3A : i32 to vector<2048x128xi32>
    %div3A_5 = arith.divsi %iota3A, %div3A : vector<2048x128xi32>
    %sign3A = arith.constant 0 : i32
    %sign3A_6 = vector.broadcast %sign3A : i32 to vector<2048x128xi32>
    %sign3A_7 = arith.cmpi sgt, %iota3A, %sign3A_6 : vector<2048x128xi32>
    %sign3A_8 = arith.extui %sign3A_7 : vector<2048x128xi1> to vector<2048x128xi32>
    %sign3A_9 = arith.constant 0 : i32
    %sign3A_10 = vector.broadcast %sign3A_9 : i32 to vector<2048x128xi32>
    %sign3A_11 = arith.cmpi slt, %iota3A, %sign3A_10 : vector<2048x128xi32>
    %sign3A_12 = arith.extui %sign3A_11 : vector<2048x128xi1> to vector<2048x128xi32>
    %sign3A_13 = arith.subi %sign3A_8, %sign3A_12 : vector<2048x128xi32>
    %sign3A_14 = arith.constant 0 : i32
    %sign3A_15 = arith.cmpi sgt, %jit3A, %sign3A_14 : i32
    %sign3A_16 = arith.extui %sign3A_15 : i1 to i32
    %sign3A_17 = arith.constant 0 : i32
    %sign3A_18 = arith.cmpi slt, %jit3A, %sign3A_17 : i32
    %sign3A_19 = arith.extui %sign3A_18 : i1 to i32
    %sign3A_20 = arith.subi %sign3A_16, %sign3A_19 : i32
    %ne3A = vector.broadcast %sign3A_20 : i32 to vector<2048x128xi32>
    %ne3A_21 = arith.cmpi ne, %sign3A_13, %ne3A : vector<2048x128xi32>
    %rem3A = vector.broadcast %jit3A : i32 to vector<2048x128xi32>
    %rem3A_22 = arith.remsi %iota3A, %rem3A : vector<2048x128xi32>
    %ne3A_23 = arith.constant 0 : i32
    %ne3A_24 = vector.broadcast %ne3A_23 : i32 to vector<2048x128xi32>
    %ne3A_25 = arith.cmpi ne, %rem3A_22, %ne3A_24 : vector<2048x128xi32>
    %and3A = arith.andi %ne3A_21, %ne3A_25 : vector<2048x128xi1>
    %sub3A = arith.constant 1 : i32
    %sub3A_26 = vector.broadcast %sub3A : i32 to vector<2048x128xi32>
    %sub3A_27 = arith.subi %div3A_5, %sub3A_26 : vector<2048x128xi32>
    %select_n3A = arith.select %and3A, %sub3A_27, %div3A_5 : vector<2048x128xi1>, vector<2048x128xi32>
    %eq3A = vector.broadcast %get3A_4 : vector<2048x1xi32> to vector<2048x128xi32>
    %eq3A_28 = arith.cmpi eq, %select_n3A, %eq3A : vector<2048x128xi32>
    %jit3A_29 = arith.constant 0.000000e+00 : f32
    %broadcast_in_dim3A = vector.broadcast %jit3A_29 : f32 to vector<2048x128xf32>
    %select_n3A_30 = arith.select %eq3A_28, %get3A_1, %broadcast_in_dim3A : vector<2048x128xi1>, vector<2048x128xf32>
    %bitcast_convert_type3A = tpu.bitcast %select_n3A_30 : vector<2048x128xf32> -> vector<2048x128xi32>
    %and3A_31 = arith.constant -65536 : i32
    %and3A_32 = vector.broadcast %and3A_31 : i32 to vector<2048x128xi32>
    %and3A_33 = arith.andi %bitcast_convert_type3A, %and3A_32 : vector<2048x128xi32>
    %bitcast_convert_type3A_34 = tpu.bitcast %and3A_33 : vector<2048x128xi32> -> vector<2048x128xf32>
    %shift_left3A = arith.constant 16 : i32
    %shift_left3A_35 = vector.broadcast %shift_left3A : i32 to vector<2048x128xi32>
    %shift_left3A_36 = arith.shli %bitcast_convert_type3A, %shift_left3A_35 : vector<2048x128xi32>
    %bitcast_convert_type3A_37 = tpu.bitcast %shift_left3A_36 : vector<2048x128xi32> -> vector<2048x128xf32>
    %get3A_38 = arith.constant 0 : index
    %get3A_39 = arith.constant 0 : index
    %get3A_40 = vector.load %arg2[%get3A_38, %get3A_39] : memref<2048x128xf32, #tpu.memory_space<vmem>>, vector<2048x128xf32>
    %get3A_41 = arith.constant 0 : index
    %get3A_42 = arith.constant 0 : index
    %get3A_43 = vector.load %arg4[%get3A_41, %get3A_42] : memref<2048x1xi32, #tpu.memory_space<vmem>>, vector<2048x1xi32>
    %iota3A_44 = tpu.iota {dimensions = array<i32: 1>} : vector<2048x128xi32>
    %jit3A_45 = arith.constant 16 : i32
    %div3A_46 = vector.broadcast %jit3A_45 : i32 to vector<2048x128xi32>
    %div3A_47 = arith.divsi %iota3A_44, %div3A_46 : vector<2048x128xi32>
    %sign3A_48 = arith.constant 0 : i32
    %sign3A_49 = vector.broadcast %sign3A_48 : i32 to vector<2048x128xi32>
    %sign3A_50 = arith.cmpi sgt, %iota3A_44, %sign3A_49 : vector<2048x128xi32>
    %sign3A_51 = arith.extui %sign3A_50 : vector<2048x128xi1> to vector<2048x128xi32>
    %sign3A_52 = arith.constant 0 : i32
    %sign3A_53 = vector.broadcast %sign3A_52 : i32 to vector<2048x128xi32>
    %sign3A_54 = arith.cmpi slt, %iota3A_44, %sign3A_53 : vector<2048x128xi32>
    %sign3A_55 = arith.extui %sign3A_54 : vector<2048x128xi1> to vector<2048x128xi32>
    %sign3A_56 = arith.subi %sign3A_51, %sign3A_55 : vector<2048x128xi32>
    %sign3A_57 = arith.constant 0 : i32
    %sign3A_58 = arith.cmpi sgt, %jit3A_45, %sign3A_57 : i32
    %sign3A_59 = arith.extui %sign3A_58 : i1 to i32
    %sign3A_60 = arith.constant 0 : i32
    %sign3A_61 = arith.cmpi slt, %jit3A_45, %sign3A_60 : i32
    %sign3A_62 = arith.extui %sign3A_61 : i1 to i32
    %sign3A_63 = arith.subi %sign3A_59, %sign3A_62 : i32
    %ne3A_64 = vector.broadcast %sign3A_63 : i32 to vector<2048x128xi32>
    %ne3A_65 = arith.cmpi ne, %sign3A_56, %ne3A_64 : vector<2048x128xi32>
    %rem3A_66 = vector.broadcast %jit3A_45 : i32 to vector<2048x128xi32>
    %rem3A_67 = arith.remsi %iota3A_44, %rem3A_66 : vector<2048x128xi32>
    %ne3A_68 = arith.constant 0 : i32
    %ne3A_69 = vector.broadcast %ne3A_68 : i32 to vector<2048x128xi32>
    %ne3A_70 = arith.cmpi ne, %rem3A_67, %ne3A_69 : vector<2048x128xi32>
    %and3A_71 = arith.andi %ne3A_65, %ne3A_70 : vector<2048x128xi1>
    %sub3A_72 = arith.constant 1 : i32
    %sub3A_73 = vector.broadcast %sub3A_72 : i32 to vector<2048x128xi32>
    %sub3A_74 = arith.subi %div3A_47, %sub3A_73 : vector<2048x128xi32>
    %select_n3A_75 = arith.select %and3A_71, %sub3A_74, %div3A_47 : vector<2048x128xi1>, vector<2048x128xi32>
    %eq3A_76 = vector.broadcast %get3A_43 : vector<2048x1xi32> to vector<2048x128xi32>
    %eq3A_77 = arith.cmpi eq, %select_n3A_75, %eq3A_76 : vector<2048x128xi32>
    %jit3A_78 = arith.constant 0.000000e+00 : f32
    %broadcast_in_dim3A_79 = vector.broadcast %jit3A_78 : f32 to vector<2048x128xf32>
    %select_n3A_80 = arith.select %eq3A_77, %get3A_40, %broadcast_in_dim3A_79 : vector<2048x128xi1>, vector<2048x128xf32>
    %bitcast_convert_type3A_81 = tpu.bitcast %select_n3A_80 : vector<2048x128xf32> -> vector<2048x128xi32>
    %and3A_82 = arith.constant -65536 : i32
    %and3A_83 = vector.broadcast %and3A_82 : i32 to vector<2048x128xi32>
    %and3A_84 = arith.andi %bitcast_convert_type3A_81, %and3A_83 : vector<2048x128xi32>
    %bitcast_convert_type3A_85 = tpu.bitcast %and3A_84 : vector<2048x128xi32> -> vector<2048x128xf32>
    %shift_left3A_86 = arith.constant 16 : i32
    %shift_left3A_87 = vector.broadcast %shift_left3A_86 : i32 to vector<2048x128xi32>
    %shift_left3A_88 = arith.shli %bitcast_convert_type3A_81, %shift_left3A_87 : vector<2048x128xi32>
    %bitcast_convert_type3A_89 = tpu.bitcast %shift_left3A_88 : vector<2048x128xi32> -> vector<2048x128xf32>
    %get3A_90 = arith.constant 0 : index
    %get3A_91 = arith.constant 0 : index
    %get3A_92 = vector.load %arg5[%get3A_90, %get3A_91] : memref<128x256xf32, #tpu.memory_space<vmem>>, vector<128x256xf32>
    %dot_general3A = arith.constant dense<0.000000e+00> : vector<2048x256xf32>
    %dot_general3A_93 = tpu.matmul %bitcast_convert_type3A_34, %get3A_92, %dot_general3A {dimension_numbers = #tpu.dot_dimension_numbers<[1], [0], [0], [1], [0, 0, 1, 1], [], []>, transpose_lhs_hint = false} : vector<2048x128xf32>, vector<128x256xf32>, vector<2048x256xf32> -> vector<2048x256xf32>
    %get3A_94 = arith.constant 0 : index
    %get3A_95 = arith.constant 0 : index
    %get3A_96 = vector.load %arg6[%get3A_94, %get3A_95] : memref<128x256xf32, #tpu.memory_space<vmem>>, vector<128x256xf32>
    %dot_general3A_97 = arith.constant dense<0.000000e+00> : vector<2048x256xf32>
    %dot_general3A_98 = tpu.matmul %bitcast_convert_type3A_37, %get3A_96, %dot_general3A_97 {dimension_numbers = #tpu.dot_dimension_numbers<[1], [0], [0], [1], [0, 0, 1, 1], [], []>, transpose_lhs_hint = false} : vector<2048x128xf32>, vector<128x256xf32>, vector<2048x256xf32> -> vector<2048x256xf32>
    %add3A = arith.addf %dot_general3A_93, %dot_general3A_98 : vector<2048x256xf32>
    %get3A_99 = arith.constant 0 : index
    %get3A_100 = arith.constant 0 : index
    %get3A_101 = vector.load %arg7[%get3A_99, %get3A_100] : memref<128x256xf32, #tpu.memory_space<vmem>>, vector<128x256xf32>
    %dot_general3A_102 = arith.constant dense<0.000000e+00> : vector<2048x256xf32>
    %dot_general3A_103 = tpu.matmul %bitcast_convert_type3A_85, %get3A_101, %dot_general3A_102 {dimension_numbers = #tpu.dot_dimension_numbers<[1], [0], [0], [1], [0, 0, 1, 1], [], []>, transpose_lhs_hint = false} : vector<2048x128xf32>, vector<128x256xf32>, vector<2048x256xf32> -> vector<2048x256xf32>
    %add3A_104 = arith.addf %add3A, %dot_general3A_103 : vector<2048x256xf32>
    %get3A_105 = arith.constant 0 : index
    %get3A_106 = arith.constant 0 : index
    %get3A_107 = vector.load %arg8[%get3A_105, %get3A_106] : memref<128x256xf32, #tpu.memory_space<vmem>>, vector<128x256xf32>
    %dot_general3A_108 = arith.constant dense<0.000000e+00> : vector<2048x256xf32>
    %dot_general3A_109 = tpu.matmul %bitcast_convert_type3A_89, %get3A_107, %dot_general3A_108 {dimension_numbers = #tpu.dot_dimension_numbers<[1], [0], [0], [1], [0, 0, 1, 1], [], []>, transpose_lhs_hint = false} : vector<2048x128xf32>, vector<128x256xf32>, vector<2048x256xf32> -> vector<2048x256xf32>
    %add3A_110 = arith.addf %add3A_104, %dot_general3A_109 : vector<2048x256xf32>
    %get3A_111 = arith.constant 0 : index
    %get3A_112 = arith.constant 0 : index
    %get3A_113 = vector.load %arg9[%get3A_111, %get3A_112] : memref<1x256xf32, #tpu.memory_space<vmem>>, vector<1x256xf32>
    %add3A_114 = vector.broadcast %get3A_113 : vector<1x256xf32> to vector<2048x256xf32>
    %add3A_115 = arith.addf %add3A_110, %add3A_114 : vector<2048x256xf32>
    %max3A = arith.constant 0.000000e+00 : f32
    %max3A_116 = vector.broadcast %max3A : f32 to vector<2048x256xf32>
    %max3A_117 = arith.maximumf %add3A_115, %max3A_116 : vector<2048x256xf32>
    %get3A_118 = arith.constant 0 : index
    %get3A_119 = arith.constant 0 : index
    %get3A_120 = vector.load %arg10[%get3A_118, %get3A_119] : memref<256x64xf32, #tpu.memory_space<vmem>>, vector<256x64xf32>
    %dot_general3A_121 = arith.constant dense<0.000000e+00> : vector<2048x64xf32>
    %dot_general3A_122 = tpu.matmul %max3A_117, %get3A_120, %dot_general3A_121 {dimension_numbers = #tpu.dot_dimension_numbers<[1], [0], [0], [1], [0, 0, 1, 1], [], []>, transpose_lhs_hint = false} : vector<2048x256xf32>, vector<256x64xf32>, vector<2048x64xf32> -> vector<2048x64xf32>
    %get3A_123 = arith.constant 0 : index
    %get3A_124 = arith.constant 0 : index
    %get3A_125 = vector.load %arg11[%get3A_123, %get3A_124] : memref<1x64xf32, #tpu.memory_space<vmem>>, vector<1x64xf32>
    %add3A_126 = vector.broadcast %get3A_125 : vector<1x64xf32> to vector<2048x64xf32>
    %add3A_127 = arith.addf %dot_general3A_122, %add3A_126 : vector<2048x64xf32>
    %max3A_128 = arith.constant 0.000000e+00 : f32
    %max3A_129 = vector.broadcast %max3A_128 : f32 to vector<2048x64xf32>
    %max3A_130 = arith.maximumf %add3A_127, %max3A_129 : vector<2048x64xf32>
    %get3A_131 = arith.constant 0 : index
    %get3A_132 = arith.constant 0 : index
    %get3A_133 = vector.load %arg12[%get3A_131, %get3A_132] : memref<64x1xf32, #tpu.memory_space<vmem>>, vector<64x1xf32>
    %dot_general3A_134 = arith.constant dense<0.000000e+00> : vector<1x2048xf32>
    %dot_general3A_135 = tpu.matmul %get3A_133, %max3A_130, %dot_general3A_134 {dimension_numbers = #tpu.dot_dimension_numbers<[0], [1], [1], [0], [0, 1, 1, 0], [], []>, transpose_lhs_hint = false} : vector<64x1xf32>, vector<2048x64xf32>, vector<1x2048xf32> -> vector<1x2048xf32>
    %get3A_136 = arith.constant 0 : index
    %get3A_137 = arith.constant 0 : index
    %get3A_138 = vector.load %arg13[%get3A_136, %get3A_137] : memref<1x1xf32, #tpu.memory_space<vmem>>, vector<1x1xf32>
    %add3A_139 = vector.broadcast %get3A_138 : vector<1x1xf32> to vector<1x2048xf32>
    %add3A_140 = arith.addf %dot_general3A_135, %add3A_139 : vector<1x2048xf32>
    %swap3A = arith.constant 0 : index
    %swap3A_141 = arith.constant 0 : index
    %swap3A_142 = vector.load %arg14[%swap3A, %swap3A_141] : memref<1x2048xf32, #tpu.memory_space<vmem>>, vector<1x2048xf32>
    tpu.vector_store %arg14[%swap3A, %swap3A_141], %add3A_140 {strides = array<i32>} : memref<1x2048xf32, #tpu.memory_space<vmem>>, vector<1x2048xf32>,
    return
  }
  func.func @transform_0(%arg0: i32) -> (i32, i32) {
    %c0_i32 = arith.constant 0 : i32
    %c0_i32_0 = arith.constant 0 : i32
    return %arg0, %c0_i32 : i32, i32
  }
  func.func @transform_1(%arg0: i32) -> (i32, i32) {
    %c0_i32 = arith.constant 0 : i32
    %c0_i32_0 = arith.constant 0 : i32
    return %arg0, %c0_i32 : i32, i32
  }
  func.func @transform_2(%arg0: i32) -> (i32, i32) {
    %c0_i32 = arith.constant 0 : i32
    %c0_i32_0 = arith.constant 0 : i32
    return %arg0, %c0_i32 : i32, i32
  }
  func.func @transform_3(%arg0: i32) -> (i32, i32) {
    %c0_i32 = arith.constant 0 : i32
    %c0_i32_0 = arith.constant 0 : i32
    return %arg0, %c0_i32 : i32, i32
  }
  func.func @transform_4(%arg0: i32) -> (i32, i32) {
    %c0_i32 = arith.constant 0 : i32
    %c0_i32_0 = arith.constant 0 : i32
    %c0_i32_1 = arith.constant 0 : i32
    return %c0_i32, %c0_i32_0 : i32, i32
  }
  func.func @transform_5(%arg0: i32) -> (i32, i32) {
    %c0_i32 = arith.constant 0 : i32
    %c0_i32_0 = arith.constant 0 : i32
    %c0_i32_1 = arith.constant 0 : i32
    return %c0_i32, %c0_i32_0 : i32, i32
  }
  func.func @transform_6(%arg0: i32) -> (i32, i32) {
    %c0_i32 = arith.constant 0 : i32
    %c0_i32_0 = arith.constant 0 : i32
    %c0_i32_1 = arith.constant 0 : i32
    return %c0_i32, %c0_i32_0 : i32, i32
  }
  func.func @transform_7(%arg0: i32) -> (i32, i32) {
    %c0_i32 = arith.constant 0 : i32
    %c0_i32_0 = arith.constant 0 : i32
    %c0_i32_1 = arith.constant 0 : i32
    return %c0_i32, %c0_i32_0 : i32, i32
  }
  func.func @transform_8(%arg0: i32) -> (i32, i32) {
    %c0_i32 = arith.constant 0 : i32
    %c0_i32_0 = arith.constant 0 : i32
    %c0_i32_1 = arith.constant 0 : i32
    return %c0_i32, %c0_i32_0 : i32, i32
  }
  func.func @transform_9(%arg0: i32) -> (i32, i32) {
    %c0_i32 = arith.constant 0 : i32
    %c0_i32_0 = arith.constant 0 : i32
    %c0_i32_1 = arith.constant 0 : i32
    return %c0_i32, %c0_i32_0 : i32, i32
  }
  func.func @transform_10(%arg0: i32) -> (i32, i32) {
    %c0_i32 = arith.constant 0 : i32
    %c0_i32_0 = arith.constant 0 : i32
    %c0_i32_1 = arith.constant 0 : i32
    return %c0_i32, %c0_i32_0 : i32, i32
  }
  func.func @transform_11(%arg0: i32) -> (i32, i32) {
    %c0_i32 = arith.constant 0 : i32
    %c0_i32_0 = arith.constant 0 : i32
    %c0_i32_1 = arith.constant 0 : i32
    return %c0_i32, %c0_i32_0 : i32, i32
  }
  func.func @transform_12(%arg0: i32) -> (i32, i32) {
    %c0_i32 = arith.constant 0 : i32
    %c0_i32_0 = arith.constant 0 : i32
    %c0_i32_1 = arith.constant 0 : i32
    return %c0_i32, %c0_i32_0 : i32, i32
  }
  func.func @transform_13(%arg0: i32) -> (i32, i32) {
    %c0_i32 = arith.constant 0 : i32
    %c0_i32_0 = arith.constant 0 : i32
    return %c0_i32, %arg0 : i32, i32
  }
}

</mosaic_0001>

<sc_bundles>
// kernel: kernel.10.cloned.1.call-start
scs
__scs_entry_jumppad:
0x0: {  	(pc) =	sbr.rel $0x88, $3  }
0x1: {  	(tag) =	ssettag $0x0;
	lr =	simm.s32 $0x1  }
0x2: {  	[smem:$0x3F97] =	sst lr;
	_ =	strace $0xD0000000  }
0x3: {  	_ = 	snop  }
0x4: {  	_ = 	snop  }
0x5: {  	_ = 	snop  }
0x6: {  	_ = 	snop  }
0x7: {  	_ = 	snop  }
__scs_overlays_trampoline_lowered:
0x8: {  	[smem:$0x3FA6] =	sst s0  }
0x9: {  	[smem:$0x3FA7] =	sst s1  }
0xa: {  	[smem:$0x3FA8] =	sst s2  }
0xb: {  	[smem:$0x3FA9] =	sst s3  }
0xc: {  	[smem:$0x3FAA] =	sst s4  }
0xd: {  	[smem:$0x3FAB] =	sst s5  }
0xe: {  	[smem:$0x3FAC] =	sst s6  }
0xf: {  	[smem:$0x3FAD] =	sst s7  }
0x10: {  	[smem:$0x3FAE] =	sst s8  }
0x11: {  	[smem:$0x3FAF] =	sst s9;
	s0 =	simm.s32 @!p0 $0x0  }
0x12: {  	s1 =	sld [smem:$0x3F95];
	s0 =	simm.s32 @p0 $0x1  }
0x13: {  	[smem:$0x3FB0] =	sst s0;
	s0 =	simm.s32 @!p1 $0x0  }
0x14: {  	s2 =	sld [smem:$0x3F94];
	s0 =	simm.s32 @p1 $0x1  }
0x15: {  	[smem:$0x3FB1] =	sst s0;
	s0 =	simm.s32 @!p2 $0x0  }
0x16: {  	s3 =	sld [smem:$0x3FDB];
	s0 =	simm.s32 @p2 $0x1  }
0x17: {  	s4 =	simm.s32 $0x1BF5;
	[smem:$0x3FB3] =	sst s0  }
0x18: {  	s0 =	sld [smem:$0x3F96];
	_ =	swait.ge [sflag:s4], $0x0  }
0x19: {  	s7 =	sld [smem:$0x3F97]  }
0x1a: {  	s8 =	sadd.s32 $0xFFFFE003, lr  }
0x1b: {  	s9 =	sadd.s32 $0xFFFFFEF7, lr;
	s5 =	simm.s32 $0xFFFFFFFF;
	p2 =	slt.u32 s8, $0xFFFFF086  }
0x1c: {  	p1 =	slt.u32 s9, $0xF7A;
	s5 =	simm.s32 @!p2 $0x0  }
0x1d: {  	s5 =	simm.s32 @p1 $0x1;
	p0 =	seq.s32 s7, s2  }
0x1e: {  	s7 =	smul.u32 @!p0 $0xF7A, s2;
	p2 =	seq.s32 @!p0 s5, $0x0  }
0x1f: {  	s9 =	smul.u32 $0xF7A, s1;
	s8 =	simm.s32 @!p0 $0x1BF5;
	p2 =	por !p2, p0  }
0x20: {  	[sflag:s8] =	ssyncset.s32 @!p0 $0xFFFFF086;
	s6 =	sadd.s32 @!p0 s3, s7;
	s7 =	simm.s32 @!p0 $0x108  }
0x21: {  	s3 =	sadd.s32 s3, s9;
	s6 =	sadd.s32 @!p0 $0x88, s6;
	s7 =	simm.s32 @p2 $0x1082  }
0x22: {  	[simem:s7], [sflag:s8] =	dma.local @!p0 [hbm:s6], $0xF7A  }
0x23: {  	s9 =	sor.u32 $0xD0000000, s2;
	s6 =	simm.s32 $0x108;
	_ =	swait.ge @!p0 [sflag:s8], $0x0  }
0x24: {  	s3 =	sadd.s32 $0x88, s3;
	s6 =	simm.s32 @!p1 $0x1082;
	[sflag:s4] =	ssyncset.s32 $0xFFFFF086  }
0x25: {  	[simem:s6], [sflag:s4] =	dma.local [hbm:s3], $0xF7A  }
0x26: {  	[smem:$0x3F97] =	sst s1;
	(tag) =	ssettag s2;
	_ =	strace s9  }
0x27: {  	s1 =	sld [smem:$0x3FA7]  }
0x28: {  	s2 =	sld [smem:$0x3FA8]  }
0x29: {  	s4 =	sld [smem:$0x3FAA]  }
0x2a: {  	p0 =	seq.s32 s5, $0x0;
	s5 =	sld [smem:$0x3FAB]  }
0x2b: {  	s6 =	sld [smem:$0x3FAC]  }
0x2c: {  	s7 =	sld [smem:$0x3FAD]  }
0x2d: {  	s3 =	simm.s32 $0x108;
	s8 =	sld [smem:$0x3FAE]  }
0x2e: {  	s3 =	simm.s32 @!p0 $0x1082;
	s9 =	sld [smem:$0x3FAF]  }
0x2f: {  	lr =	sadd.s32 s0, s3;
	s0 =	sld [smem:$0x3FA6]  }
0x30: {  	s3 =	sld [smem:$0x3FA9]  }
0x31: {  	[smem:$0x3FB2] =	sst s10  }
0x32: {  	s10 =	sld [smem:$0x3FB0];
	_ =	sdelay $0x3  }
0x33: {  	p0 =	seq.s32 s10, $0x1;
	s10 =	sld [smem:$0x3FB2];
	_ =	sdelay $0x3  }
0x34: {  	[smem:$0x3FB2] =	sst s10  }
0x35: {  	s10 =	sld [smem:$0x3FB1];
	_ =	sdelay $0x3  }
0x36: {  	p1 =	seq.s32 s10, $0x1;
	s10 =	sld [smem:$0x3FB2];
	_ =	sdelay $0x3  }
0x37: {  	[smem:$0x3FB2] =	sst s10  }
0x38: {  	s10 =	sld [smem:$0x3FB3]  }
0x39: {  	_ = 	snop;
	(pc) =	sbr.ind lr, $3  }
0x3a: {  	_ = 	snop  }
0x3b: {  	_ = 	snop  }
0x3c: {  	p2 =	seq.s32 s10, $0x1;
	s10 =	sld [smem:$0x3FB2]  }
0x3d: {  	_ =	shalt  }
0x3e: {  	_ =	shalt  }
0x3f: {  	_ =	shalt  }
0x40: {  	_ =	shalt  }
0x41: {  	_ =	shalt  }
0x42: {  	_ =	shalt  }
0x43: {  	_ =	shalt  }
0x44: {  	_ =	shalt  }
0x45: {  	_ =	shalt  }
0x46: {  	_ =	shalt  }
0x47: {  	_ =	shalt  }
0x48: {  	_ =	shalt  }
0x49: {  	_ =	shalt  }
0x4a: {  	_ =	shalt  }
0x4b: {  	_ =	shalt  }
0x4c: {  	_ =	shalt  }
0x4d: {  	_ =	shalt  }
0x4e: {  	_ =	shalt  }
0x4f: {  	_ =	shalt  }
0x50: {  	_ =	shalt  }
0x51: {  	_ =	shalt  }
0x52: {  	_ =	shalt  }
0x53: {  	_ =	shalt  }
0x54: {  	_ =	shalt  }
0x55: {  	_ =	shalt  }
0x56: {  	_ =	shalt  }
0x57: {  	_ =	shalt  }
0x58: {  	_ =	shalt  }
0x59: {  	_ =	shalt  }
0x5a: {  	_ =	shalt  }
0x5b: {  	_ =	shalt  }
0x5c: {  	_ =	shalt  }
0x5d: {  	_ =	shalt  }
0x5e: {  	_ =	shalt  }
0x5f: {  	_ =	shalt  }
0x60: {  	_ =	shalt  }
0x61: {  	_ =	shalt  }
0x62: {  	_ =	shalt  }
0x63: {  	_ =	shalt  }
0x64: {  	_ =	shalt  }
0x65: {  	_ =	shalt  }
0x66: {  	_ =	shalt  }
0x67: {  	_ =	shalt  }
0x68: {  	_ =	shalt  }
0x69: {  	_ =	shalt  }
0x6a: {  	_ =	shalt  }
0x6b: {  	_ =	shalt  }
0x6c: {  	_ =	shalt  }
0x6d: {  	_ =	shalt  }
0x6e: {  	_ =	shalt  }
0x6f: {  	_ =	shalt  }
0x70: {  	_ =	shalt  }
0x71: {  	_ =	shalt  }
0x72: {  	_ =	shalt  }
0x73: {  	_ =	shalt  }
0x74: {  	_ =	shalt  }
0x75: {  	_ =	shalt  }
0x76: {  	_ =	shalt  }
0x77: {  	_ =	shalt  }
0x78: {  	_ =	shalt  }
0x79: {  	_ =	shalt  }
0x7a: {  	_ =	shalt  }
0x7b: {  	_ =	shalt  }
0x7c: {  	_ =	shalt  }
0x7d: {  	_ =	shalt  }
0x7e: {  	_ =	shalt  }
0x7f: {  	_ =	shalt  }
0x80: {  	_ =	shalt  }
0x81: {  	_ =	shalt  }
0x82: {  	_ =	shalt  }
0x83: {  	_ =	shalt  }
0x84: {  	_ =	shalt  }
0x85: {  	_ =	shalt  }
0x86: {  	_ =	shalt  }
0x87: {  	_ =	shalt  }
.Lfunc_end0:
.L_simem_size_0:
called_computation.1_lowered:
.L_overlay_start_0:
0x88: {  	s2 =	sld [smem:$0x3FD9]  }
0x89: {  	s3 =	sld [smem:$0x3FFE];
	_ =	sdelay $0x1  }
0x8a: {  	s1 =	srdreg.scid  }
0x8b: {  	s0 =	sand.u32 $0x1, s1  }
0x8c: {  	s16 =	sshll.u32 s0, $0xA;
	s2 =	sadd.s32 s3, s2  }
0x8d: {  	s2 =	sadd.s32 s2, s16  }
0x8e: {  	[smem:$0x3FBE] =	sst s2  }
0x8f: {  	_ = 	snop  }
0x90: {  	(tm) =	ssettm $0x1  }
0x91: {  	s17 =	sld [smem:$0x3FFB];
	_ =	sdelay $0x3  }
0x92: {  	_ =	strace s17  }
0x93: {  	s2 =	sld [smem:$0x3FFC];
	_ =	sdelay $0x3  }
0x94: {  	_ =	strace s2  }
0x95: {  	s2 =	sld [smem:$0x3FFD];
	_ =	sdelay $0x3  }
0x96: {  	_ =	strace s2  }
0x97: {  	_ =	strace $0x8FFFFFFF  }
0x98: {  	s18 =	sld [smem:$0x3FDB];
	_ =	sdelay $0x1  }
0x99: {  	s19 =	simm.s32 $_scs_section_size  }
0x9a: {  	s4 =	simm.s32 $_size__tile_overlayer_lowered;
	s5 =	simm.s32 $_tile_overlayer_lowered  }
0x9b: {  	s22 =	simm.s32 $0x1BFF;
	s21 =	sshll.u32 s5, $0x1;
	s2 =	sadd.s32 s19, s18  }
0x9c: {  	s6 =	simm.s32 $0x0;
	s20 =	sshll.u32 s4, $0x1;
	s4 =	sadd.s32 s21, s2  }
0x9d: {  	[timem:s6], [sflag:s22] =	dma.local [hbm:s4], s20  }
0x9e: {  	_ =	swait.ge [sflag:s22], s20  }
0x9f: {  	s3 =	ssub.s32 $0x0, s20;
	[sflag:s22] =	ssyncset.done $0x0  }
0xa0: {  	[sflag:s22] =	ssyncadd.s32 s3;
	_ =	sdelay $0x1  }
0xa1: {  	s23 =	simm.s32 $0x1B8B  }
0xa2: {  	_ =	swait.ge [sflag:s23], $0x1  }
0xa3: {  	[sflag:s23] =	ssyncset.done $0x0  }
0xa4: {  	s25 =	simm.s32 $0x1B8E;
	s24 =	sld [smem:$0x3FFE];
	[sflag:s23] =	ssyncadd.s32 $0xFFFFFFFF  }
0xa5: {  	s26 =	simm.s32 $execute0_lowered;
	[smem:$0x3FD2] =	sst s25  }
0xa6: {  	s4 =	sshll.u32 s26, $0x1;
	_ =	strace $0x80000046;
	[dreg:$0x1] =	wrdreg $0xFFFFFFFF  }
0xa7: {  	s28 =	simm.s32 $_size_execute0_lowered;
	s2 =	sadd.s32 s2, s4;
	[dreg:$0x0] =	wrdreg $0x0  }
0xa8: {  	s4 =	sshll.u32 s28, $0x1;
	[dreg:$0x2] =	wrdreg s2  }
0xa9: {  	[dreg:$0x3] =	wrdreg s4  }
0xaa: {  	[dreg:$0x4] =	wrdreg $0xC0  }
0xab: {  	_ =	task [dreg:s6], $0x5FFFF  }
0xac: {  	[dreg:$0x1] =	wrdreg $0xFFFFFFFF  }
0xad: {  	[dreg:$0x0] =	wrdreg $0x60  }
0xae: {  	[dreg:$0x2] =	wrdreg s24  }
0xaf: {  	[dreg:$0x3] =	wrdreg $0xA  }
0xb0: {  	_ =	task.clear_ibuf [dreg:s6], $0x4FFFF;
	_ =	strace $0x90000046  }
0xb1: {  	s29 =	simm.s32 $0xA;
	_ =	strace $0x80000048  }
0xb2: {  	_ =	swait.ge [sflag:s29], $0x1  }
0xb3: {  	[sflag:s29] =	ssyncadd.s32 $0xFFFFFFFF  }
0xb4: {  	_ =	strace $0x90000048  }
0xb5: {  	_ =	sfence  }
0xb6: {  	s30 =	sld [smem:$0x0];
	_ =	sdelay $0x2  }
0xb7: {  	s31 =	sshll.u32 s1, $0xD;
	s1 =	sshrl.u32 s1, $0x2  }
0xb8: {  	s3 =	sand.u32 $0x4000, s31;
	s1 =	sadd.s32 s1, s30  }
0xb9: {  	s0 =	sor.u32 s3, s0;
	s1 =	sshll.u32 s1, $0x11  }
0xba: {  	s0 =	sor.u32 s1, s0  }
0xbb: {  	s0 =	sadd.s32 $0x8F2B, s0  }
0xbc: {  	[sflag:s0] =	ssyncadd.remote.s32 $0x1  }
0xbd: {  	_ =	sfence.sel $0xFFFF  }
0xbe: {  	[dreg:$0x0] =	wrdreg $0xFFFFFFFF;
	(pc) =	sbr.abs _section_cstart, $3  }
0xbf: {  	[dreg:$0x1] =	wrdreg $0xFFFFFFFF  }
0xc0: {  	_ =	task.clear_ibuf [dreg:s6], $0x2FFFF;
	_ =	strace $0x9FFFFFFF  }
0xc1: {  	(tm) =	ssettm $0x7FFFFFFF  }
tec
execute0_lowered:
.L_overlay_start_1:
0x0: {  	(tag) =	ssettag $0x1  }
0x1: {  	s1 =	srdreg.scid  }
0x2: {  	s0 =	stileid.u32;
	s14 =	sand.u32 $0x1, s1  }
0x3: {  	s29 =	sshll.u32 s0, $0xA;
	s2 =	sshll.u32 s14, $0x9  }
0x4: {  	s15 =	rddreg [dreg:$0x0];
	s16 =	sor.u32 s2, s29  }
0x5: {  	s1 =	rddreg [dreg:$0x1];
	s2 =	simm.s32 $0x0;
	s3 =	sshrl.u32 s16, $0x3  }
0x6: {  	[smem:$0x7FF] =	sst s2;
	s3 =	sadd.s32 s3, s15  }
0x7: {  	_ =	strace $0x80000047;
	s4 =	sadd.s32 $0x3200, s3;
	s3 =	simm.s32 $0x2  }
0x8: {  	[tilespmem:s2], [sflag:$0x2] =	stream.linear.gather [hbm4b:s4+s2], $0x200, $0x38;
	[tilespmem:$0x10200] =	vst v63  }
0x9: {  	_ =	swait.ge [sflag:s3], $0x200  }
0xa: {  	s6 =	simm.s32 $0x80;
	[sflag:s3] =	ssyncset.done $0x0  }
0xb: {  	s7 =	simm.s32 $0x200;
	s5 =	sadd.s32 $0x3A00, s15;
	[sflag:s3] =	ssyncadd.s32 $0xFFFFFE00  }
0xc: {  	[tilespmem:s7], [sflag:$0x1] =	stream.indirect.gather [hbm4b:s5+s6], $0x80, s2, s6, $0xb8;
	[tilespmem:$0x10200] =	vst v63  }
0xd: {  	s8 =	simm.s32 $0x4200  }
0xe: {  	[tilespmem:s8], [sflag:$0x1] =	stream.indirect.gather [hbm4b:s5+s6], $0x80, s6, s6, $0xb8;
	[tilespmem:$0x10200] =	vst v63  }
0xf: {  	s9 =	simm.s32 $0x100;
	s10 =	simm.s32 $0x8200  }
0x10: {  	[tilespmem:s10], [sflag:$0x1] =	stream.indirect.gather [hbm4b:s5+s6], $0x80, s9, s6, $0xb8;
	[tilespmem:$0x10200] =	vst v63  }
0x11: {  	s11 =	simm.s32 $0x180;
	s12 =	simm.s32 $0xC200;
	s13 =	simm.s32 $0x1  }
0x12: {  	[tilespmem:s12], [sflag:$0x1] =	stream.indirect.gather [hbm4b:s5+s6], $0x80, s11, s6, $0xb8;
	[tilespmem:$0x10200] =	vst v63  }
0x13: {  	_ =	swait.ge [sflag:s13], $0x4000  }
0x14: {  	[sflag:s13] =	ssyncset.done $0x0  }
0x15: {  	[sflag:s13] =	ssyncadd.s32 $0xFFFFC000  }
0x16: {  	_ =	swait.ge [sflag:s13], $0x4000  }
0x17: {  	[sflag:s13] =	ssyncset.done $0x0  }
0x18: {  	s14 =	ssub.s32 $0x2, s14;
	[sflag:s13] =	ssyncadd.s32 $0xFFFFC000  }
0x19: {  	s17 =	sshrl.u32 s14, $0x1;
	_ =	swait.ge [sflag:s13], $0x4000  }
0x1a: {  	s30 =	ssub.s32 s14, s17;
	[sflag:s13] =	ssyncset.done $0x0  }
0x1b: {  	s31 =	smax.u32 s30, $0x1;
	[sflag:s13] =	ssyncadd.s32 $0xFFFFC000  }
0x1c: {  	s16 =	sshll.u32 s16, $0x4;
	p0 =	sne.s32 s31, $0x1;
	_ =	swait.ge [sflag:s13], $0x4000  }
.Ltmp0:
0x1d: {  	s15 =	sadd.s32 s16, s15;
	[sflag:s13] =	ssyncset.done $0x0;
	(pc) =	sbr.rel @!p0 .LBB2_2-.Ltmp0, $4  }
0x1e: {  	s14 =	sadd.s32 $0x1F3A00, s15;
	[sflag:s13] =	ssyncadd.s32 $0xFFFFC000  }
0x1f: {  	[hbm4b:s14+s2] =	stream.linear.scatter [tilespmem:s7], [sflag:$0x2], $0x10000, $0x38;
	[tilespmem:$0x10200] =	vst v63  }
0x20: {  	_ =	swait.ge [sflag:s3], $0x10000  }
0x21: {  	s15 =	sadd.s32 $0xFFFFFFFF, s31;
	[sflag:s3] =	ssyncset.done $0x0  }
.LBB2_1:
0x22: {  	p0 =	sne.s32 s15, $0x1;
	s15 =	sadd.s32 $0xFFFFFFFF, s15;
	[sflag:s3] =	ssyncadd.s32 $0xFFFF0000  }
0x23: {  	[tilespmem:s2], [sflag:$0x2] =	stream.linear.gather [hbm4b:s4+s2], $0x200, $0x38;
	[tilespmem:$0x10200] =	vst v63  }
0x24: {  	_ =	swait.ge [sflag:s3], $0x200  }
0x25: {  	[sflag:s3] =	ssyncset.done $0x0  }
0x26: {  	[sflag:s3] =	ssyncadd.s32 $0xFFFFFE00  }
0x27: {  	[tilespmem:s7], [sflag:$0x1] =	stream.indirect.gather [hbm4b:s5+s6], $0x80, s2, s6, $0xb8;
	[tilespmem:$0x10200] =	vst v63  }
0x28: {  	_ = 	snop  }
0x29: {  	[tilespmem:s8], [sflag:$0x1] =	stream.indirect.gather [hbm4b:s5+s6], $0x80, s6, s6, $0xb8;
	[tilespmem:$0x10200] =	vst v63  }
0x2a: {  	_ = 	snop  }
0x2b: {  	[tilespmem:s10], [sflag:$0x1] =	stream.indirect.gather [hbm4b:s5+s6], $0x80, s9, s6, $0xb8;
	[tilespmem:$0x10200] =	vst v63  }
0x2c: {  	_ = 	snop  }
0x2d: {  	[tilespmem:s12], [sflag:$0x1] =	stream.indirect.gather [hbm4b:s5+s6], $0x80, s11, s6, $0xb8;
	[tilespmem:$0x10200] =	vst v63  }
0x2e: {  	_ =	swait.ge [sflag:s13], $0x4000  }
0x2f: {  	[sflag:s13] =	ssyncset.done $0x0  }
0x30: {  	[sflag:s13] =	ssyncadd.s32 $0xFFFFC000  }
0x31: {  	_ =	swait.ge [sflag:s13], $0x4000  }
0x32: {  	[sflag:s13] =	ssyncset.done $0x0  }
0x33: {  	[sflag:s13] =	ssyncadd.s32 $0xFFFFC000  }
0x34: {  	_ =	swait.ge [sflag:s13], $0x4000  }
0x35: {  	[sflag:s13] =	ssyncset.done $0x0  }
0x36: {  	[sflag:s13] =	ssyncadd.s32 $0xFFFFC000  }
0x37: {  	_ =	swait.ge [sflag:s13], $0x4000  }
.Ltmp1:
0x38: {  	[sflag:s13] =	ssyncset.done $0x0;
	(pc) =	sbr.rel @p0 .LBB2_1-.Ltmp1, $4  }
0x39: {  	[sflag:s13] =	ssyncadd.s32 $0xFFFFC000  }
0x3a: {  	[hbm4b:s14+s2] =	stream.linear.scatter [tilespmem:s7], [sflag:$0x2], $0x10000, $0x38;
	[tilespmem:$0x10200] =	vst v63  }
0x3b: {  	_ =	swait.ge [sflag:s3], $0x10000  }
0x3c: {  	[sflag:s3] =	ssyncset.done $0x0  }
.LBB2_2:
0x3d: {  	[sflag:s3] =	ssyncadd.s32 $0xFFFF0000  }
0x3e: {  	_ =	sfence.sel $0x180000  }
0x3f: {  	[bflag:$0x0] =	sbarrier.arrive $0xFFFF  }
0x40: {  	p0 =	sne.s32 s0, $0x0;
	_ =	strace $0x90000047  }
0x41: {  	s0 =	sadd.s32 @!p0 $0x100000, s1;
	[bflag:$0x2] =	sbarrier.arrive $0xFFFF  }
0x42: {  	[sflag:s0] =	ssyncadd.tile.s32 @!p0 $0x1;
	_ =	shalt  }
.Lfunc_end2:
_tile_overlayer_lowered:
.L_overlay_start_2:
0x43: {  	(tag) =	ssettag $0x2  }
0x44: {  	s0 =	rddreg [dreg:$0x0];
	s2 =	stileid.u32  }
0x45: {  	s1 =	rddreg [dreg:$0x1];
	p0 =	sne.s32 s2, $0x0  }
0x46: {  	s3 =	rddreg [dreg:$0x2];
	[bflag:$0x3] =	sbarrier.arrive $0xFFFF;
	s2 =	simm.s32 @!p0 $0x1C02  }
0x47: {  	[timem:s3], [sflag:s2] =	dma.local @!p0 [hbm:s0], s1  }
0x48: {  	s0 =	simm.s32 @!p0 $0x2  }
0x49: {  	_ =	swait.ge @!p0 [sflag:s0], s1  }
0x4a: {  	s1 =	ssub.s32 @!p0 $0x0, s1;
	[sflag:s0] =	ssyncset.done @!p0 $0x0  }
0x4b: {  	[sflag:s0] =	ssyncadd.s32 @!p0 s1  }
0x4c: {  	[bflag:$0x3] =	sbarrier.arrive $0xFFFF  }
0x4d: {  	_ =	shalt  }

// kernel: kernel.7.cloned.1.call-start
scs
__scs_entry_jumppad:
0x0: {  	(pc) =	sbr.rel $0x88, $3  }
0x1: {  	(tag) =	ssettag $0x0;
	lr =	simm.s32 $0x1  }
0x2: {  	[smem:$0x3F97] =	sst lr;
	_ =	strace $0xD0000000  }
0x3: {  	_ = 	snop  }
0x4: {  	_ = 	snop  }
0x5: {  	_ = 	snop  }
0x6: {  	_ = 	snop  }
0x7: {  	_ = 	snop  }
__scs_overlays_trampoline_lowered:
0x8: {  	[smem:$0x3FA6] =	sst s0  }
0x9: {  	[smem:$0x3FA7] =	sst s1  }
0xa: {  	[smem:$0x3FA8] =	sst s2  }
0xb: {  	[smem:$0x3FA9] =	sst s3  }
0xc: {  	[smem:$0x3FAA] =	sst s4  }
0xd: {  	[smem:$0x3FAB] =	sst s5  }
0xe: {  	[smem:$0x3FAC] =	sst s6  }
0xf: {  	[smem:$0x3FAD] =	sst s7  }
0x10: {  	[smem:$0x3FAE] =	sst s8  }
0x11: {  	[smem:$0x3FAF] =	sst s9;
	s0 =	simm.s32 @!p0 $0x0  }
0x12: {  	s1 =	sld [smem:$0x3F95];
	s0 =	simm.s32 @p0 $0x1  }
0x13: {  	[smem:$0x3FB0] =	sst s0;
	s0 =	simm.s32 @!p1 $0x0  }
0x14: {  	s2 =	sld [smem:$0x3F94];
	s0 =	simm.s32 @p1 $0x1  }
0x15: {  	[smem:$0x3FB1] =	sst s0;
	s0 =	simm.s32 @!p2 $0x0  }
0x16: {  	s3 =	sld [smem:$0x3FDB];
	s0 =	simm.s32 @p2 $0x1  }
0x17: {  	s4 =	simm.s32 $0x1BF5;
	[smem:$0x3FB3] =	sst s0  }
0x18: {  	s0 =	sld [smem:$0x3F96];
	_ =	swait.ge [sflag:s4], $0x0  }
0x19: {  	s7 =	sld [smem:$0x3F97]  }
0x1a: {  	s8 =	sadd.s32 $0xFFFFE003, lr  }
0x1b: {  	s9 =	sadd.s32 $0xFFFFFEF7, lr;
	s5 =	simm.s32 $0xFFFFFFFF;
	p2 =	slt.u32 s8, $0xFFFFF086  }
0x1c: {  	p1 =	slt.u32 s9, $0xF7A;
	s5 =	simm.s32 @!p2 $0x0  }
0x1d: {  	s5 =	simm.s32 @p1 $0x1;
	p0 =	seq.s32 s7, s2  }
0x1e: {  	s7 =	smul.u32 @!p0 $0xF7A, s2;
	p2 =	seq.s32 @!p0 s5, $0x0  }
0x1f: {  	s9 =	smul.u32 $0xF7A, s1;
	s8 =	simm.s32 @!p0 $0x1BF5;
	p2 =	por !p2, p0  }
0x20: {  	[sflag:s8] =	ssyncset.s32 @!p0 $0xFFFFF086;
	s6 =	sadd.s32 @!p0 s3, s7;
	s7 =	simm.s32 @!p0 $0x108  }
0x21: {  	s3 =	sadd.s32 s3, s9;
	s6 =	sadd.s32 @!p0 $0x88, s6;
	s7 =	simm.s32 @p2 $0x1082  }
0x22: {  	[simem:s7], [sflag:s8] =	dma.local @!p0 [hbm:s6], $0xF7A  }
0x23: {  	s9 =	sor.u32 $0xD0000000, s2;
	s6 =	simm.s32 $0x108;
	_ =	swait.ge @!p0 [sflag:s8], $0x0  }
0x24: {  	s3 =	sadd.s32 $0x88, s3;
	s6 =	simm.s32 @!p1 $0x1082;
	[sflag:s4] =	ssyncset.s32 $0xFFFFF086  }
0x25: {  	[simem:s6], [sflag:s4] =	dma.local [hbm:s3], $0xF7A  }
0x26: {  	[smem:$0x3F97] =	sst s1;
	(tag) =	ssettag s2;
	_ =	strace s9  }
0x27: {  	s1 =	sld [smem:$0x3FA7]  }
0x28: {  	s2 =	sld [smem:$0x3FA8]  }
0x29: {  	s4 =	sld [smem:$0x3FAA]  }
0x2a: {  	p0 =	seq.s32 s5, $0x0;
	s5 =	sld [smem:$0x3FAB]  }
0x2b: {  	s6 =	sld [smem:$0x3FAC]  }
0x2c: {  	s7 =	sld [smem:$0x3FAD]  }
0x2d: {  	s3 =	simm.s32 $0x108;
	s8 =	sld [smem:$0x3FAE]  }
0x2e: {  	s3 =	simm.s32 @!p0 $0x1082;
	s9 =	sld [smem:$0x3FAF]  }
0x2f: {  	lr =	sadd.s32 s0, s3;
	s0 =	sld [smem:$0x3FA6]  }
0x30: {  	s3 =	sld [smem:$0x3FA9]  }
0x31: {  	[smem:$0x3FB2] =	sst s10  }
0x32: {  	s10 =	sld [smem:$0x3FB0];
	_ =	sdelay $0x3  }
0x33: {  	p0 =	seq.s32 s10, $0x1;
	s10 =	sld [smem:$0x3FB2];
	_ =	sdelay $0x3  }
0x34: {  	[smem:$0x3FB2] =	sst s10  }
0x35: {  	s10 =	sld [smem:$0x3FB1];
	_ =	sdelay $0x3  }
0x36: {  	p1 =	seq.s32 s10, $0x1;
	s10 =	sld [smem:$0x3FB2];
	_ =	sdelay $0x3  }
0x37: {  	[smem:$0x3FB2] =	sst s10  }
0x38: {  	s10 =	sld [smem:$0x3FB3]  }
0x39: {  	_ = 	snop;
	(pc) =	sbr.ind lr, $3  }
0x3a: {  	_ = 	snop  }
0x3b: {  	_ = 	snop  }
0x3c: {  	p2 =	seq.s32 s10, $0x1;
	s10 =	sld [smem:$0x3FB2]  }
0x3d: {  	_ =	shalt  }
0x3e: {  	_ =	shalt  }
0x3f: {  	_ =	shalt  }
0x40: {  	_ =	shalt  }
0x41: {  	_ =	shalt  }
0x42: {  	_ =	shalt  }
0x43: {  	_ =	shalt  }
0x44: {  	_ =	shalt  }
0x45: {  	_ =	shalt  }
0x46: {  	_ =	shalt  }
0x47: {  	_ =	shalt  }
0x48: {  	_ =	shalt  }
0x49: {  	_ =	shalt  }
0x4a: {  	_ =	shalt  }
0x4b: {  	_ =	shalt  }
0x4c: {  	_ =	shalt  }
0x4d: {  	_ =	shalt  }
0x4e: {  	_ =	shalt  }
0x4f: {  	_ =	shalt  }
0x50: {  	_ =	shalt  }
0x51: {  	_ =	shalt  }
0x52: {  	_ =	shalt  }
0x53: {  	_ =	shalt  }
0x54: {  	_ =	shalt  }
0x55: {  	_ =	shalt  }
0x56: {  	_ =	shalt  }
0x57: {  	_ =	shalt  }
0x58: {  	_ =	shalt  }
0x59: {  	_ =	shalt  }
0x5a: {  	_ =	shalt  }
0x5b: {  	_ =	shalt  }
0x5c: {  	_ =	shalt  }
0x5d: {  	_ =	shalt  }
0x5e: {  	_ =	shalt  }
0x5f: {  	_ =	shalt  }
0x60: {  	_ =	shalt  }
0x61: {  	_ =	shalt  }
0x62: {  	_ =	shalt  }
0x63: {  	_ =	shalt  }
0x64: {  	_ =	shalt  }
0x65: {  	_ =	shalt  }
0x66: {  	_ =	shalt  }
0x67: {  	_ =	shalt  }
0x68: {  	_ =	shalt  }
0x69: {  	_ =	shalt  }
0x6a: {  	_ =	shalt  }
0x6b: {  	_ =	shalt  }
0x6c: {  	_ =	shalt  }
0x6d: {  	_ =	shalt  }
0x6e: {  	_ =	shalt  }
0x6f: {  	_ =	shalt  }
0x70: {  	_ =	shalt  }
0x71: {  	_ =	shalt  }
0x72: {  	_ =	shalt  }
0x73: {  	_ =	shalt  }
0x74: {  	_ =	shalt  }
0x75: {  	_ =	shalt  }
0x76: {  	_ =	shalt  }
0x77: {  	_ =	shalt  }
0x78: {  	_ =	shalt  }
0x79: {  	_ =	shalt  }
0x7a: {  	_ =	shalt  }
0x7b: {  	_ =	shalt  }
0x7c: {  	_ =	shalt  }
0x7d: {  	_ =	shalt  }
0x7e: {  	_ =	shalt  }
0x7f: {  	_ =	shalt  }
0x80: {  	_ =	shalt  }
0x81: {  	_ =	shalt  }
0x82: {  	_ =	shalt  }
0x83: {  	_ =	shalt  }
0x84: {  	_ =	shalt  }
0x85: {  	_ =	shalt  }
0x86: {  	_ =	shalt  }
0x87: {  	_ =	shalt  }
.Lfunc_end0:
.L_simem_size_0:
called_computation_lowered:
.L_overlay_start_0:
0x88: {  	s2 =	sld [smem:$0x3FD9]  }
0x89: {  	s3 =	sld [smem:$0x3FFE];
	_ =	sdelay $0x1  }
0x8a: {  	s1 =	srdreg.scid  }
0x8b: {  	s0 =	sand.u32 $0x1, s1  }
0x8c: {  	s17 =	sshll.u32 s0, $0xA;
	s2 =	sadd.s32 s3, s2  }
0x8d: {  	s2 =	sadd.s32 s2, s17  }
0x8e: {  	[smem:$0x3FBE] =	sst s2  }
0x8f: {  	_ = 	snop  }
0x90: {  	(tm) =	ssettm $0x1  }
0x91: {  	s18 =	sld [smem:$0x3FFB];
	_ =	sdelay $0x3  }
0x92: {  	_ =	strace s18  }
0x93: {  	s2 =	sld [smem:$0x3FFC];
	_ =	sdelay $0x3  }
0x94: {  	_ =	strace s2  }
0x95: {  	s2 =	sld [smem:$0x3FFD];
	_ =	sdelay $0x3  }
0x96: {  	_ =	strace s2  }
0x97: {  	_ =	strace $0x8FFFFFFF  }
0x98: {  	s19 =	sld [smem:$0x3FDB];
	_ =	sdelay $0x1  }
0x99: {  	s20 =	simm.s32 $_scs_section_size  }
0x9a: {  	s4 =	simm.s32 $_size__tile_overlayer_lowered;
	s5 =	simm.s32 $_tile_overlayer_lowered  }
0x9b: {  	s6 =	simm.s32 $0x1BFF;
	s21 =	sshll.u32 s5, $0x1;
	s3 =	sadd.s32 s20, s19  }
0x9c: {  	s22 =	simm.s32 $0x0;
	s4 =	sshll.u32 s4, $0x1;
	s5 =	sadd.s32 s21, s3  }
0x9d: {  	[timem:s22], [sflag:s6] =	dma.local [hbm:s5], s4  }
0x9e: {  	_ =	swait.ge [sflag:s6], s4  }
0x9f: {  	s4 =	ssub.s32 $0x0, s4;
	[sflag:s6] =	ssyncset.done $0x0  }
0xa0: {  	[sflag:s6] =	ssyncadd.s32 s4;
	_ =	sdelay $0x1  }
0xa1: {  	s23 =	simm.s32 $0x1B8B  }
0xa2: {  	_ =	swait.ge [sflag:s23], $0x1  }
0xa3: {  	[sflag:s23] =	ssyncset.done $0x0  }
0xa4: {  	[sflag:s23] =	ssyncadd.s32 $0xFFFFFFFF  }
0xa5: {  	s4 =	sld [smem:$0x0]  }
0xa6: {  	s5 =	sand.u32 $0xFFFFFFFE, s1  }
0xa7: {  	p0 =	sne.s32 s1, s5  }
0xa8: {  	s5 =	sshll.u32 @p0 s5, $0xE  }
0xa9: {  	s5 =	sadd.s32 @p0 $0x11B8D, s5;
	s6 =	sshll.u32 @p0 s4, $0x11  }
0xaa: {  	s5 =	sor.u32 @p0 s6, s5  }
0xab: {  	[sflag:s5] =	ssyncadd.remote.s32 @p0 $0x1;
	_ =	sdelay $0x1  }
0xac: {  	s5 =	simm.s32 @p0 $0x1B8D  }
0xad: {  	_ =	swait.eq @p0 [sflag:s5], $0x1  }
0xae: {  	[sflag:s5] =	ssyncadd.s32 @p0 $0xFFFFFFFF  }
0xaf: {  	s6 =	sshll.u32 @!p0 s1, $0xE  }
0xb0: {  	s6 =	sor.u32 @!p0 $0x4000, s6;
	s5 =	simm.s32 @!p0 $0x1B8D  }
0xb1: {  	s4 =	sshll.u32 @!p0 s4, $0x11;
	s6 =	sadd.s32 @!p0 $0x11B8D, s6;
	_ =	swait.eq @!p0 [sflag:s5], $0x1  }
0xb2: {  	s4 =	sor.u32 @!p0 s4, s6;
	[sflag:s5] =	ssyncadd.s32 @!p0 $0xFFFFFFFF  }
0xb3: {  	s25 =	simm.s32 $0x1B8E;
	s24 =	sld [smem:$0x3FFE];
	[sflag:s4] =	ssyncadd.remote.s32 @!p0 $0x1  }
0xb4: {  	s26 =	simm.s32 $execute0_lowered;
	[smem:$0x3FD2] =	sst s25  }
0xb5: {  	s5 =	sshll.u32 s26, $0x1;
	_ =	strace $0x80000049;
	[dreg:$0x1] =	wrdreg $0xFFFFFFFF  }
0xb6: {  	s28 =	simm.s32 $_size_execute0_lowered;
	s3 =	sadd.s32 s3, s5;
	[dreg:$0x0] =	wrdreg $0x0  }
0xb7: {  	s5 =	sshll.u32 s28, $0x1;
	[dreg:$0x2] =	wrdreg s3  }
0xb8: {  	[dreg:$0x3] =	wrdreg s5  }
0xb9: {  	[dreg:$0x4] =	wrdreg $0xC0  }
0xba: {  	_ =	task [dreg:s22], $0x5FFFF  }
0xbb: {  	[dreg:$0x1] =	wrdreg $0xFFFFFFFF  }
0xbc: {  	[dreg:$0x0] =	wrdreg $0x60  }
0xbd: {  	[dreg:$0x2] =	wrdreg s24  }
0xbe: {  	[dreg:$0x3] =	wrdreg $0x9  }
0xbf: {  	_ =	task.clear_ibuf [dreg:s22], $0x4FFFF;
	_ =	strace $0x90000049  }
0xc0: {  	s29 =	simm.s32 $0x9;
	_ =	strace $0x8000004B  }
0xc1: {  	_ =	swait.ge [sflag:s29], $0x1  }
0xc2: {  	[sflag:s29] =	ssyncadd.s32 $0xFFFFFFFF  }
0xc3: {  	_ =	strace $0x9000004B  }
0xc4: {  	_ =	sfence  }
0xc5: {  	s30 =	sld [smem:$0x0];
	_ =	sdelay $0x2  }
0xc6: {  	s31 =	sshll.u32 s1, $0xD;
	s1 =	sshrl.u32 s1, $0x2  }
0xc7: {  	s4 =	sand.u32 $0x4000, s31;
	s1 =	sadd.s32 s1, s30  }
0xc8: {  	s0 =	sor.u32 s4, s0;
	s1 =	sshll.u32 s1, $0x11  }
0xc9: {  	s0 =	sor.u32 s1, s0  }
0xca: {  	s0 =	sadd.s32 $0x8F2B, s0  }
0xcb: {  	[sflag:s0] =	ssyncadd.remote.s32 $0x1  }
0xcc: {  	_ =	sfence.sel $0xFFFF  }
0xcd: {  	[dreg:$0x0] =	wrdreg $0xFFFFFFFF;
	(pc) =	sbr.abs _section_cstart, $3  }
0xce: {  	[dreg:$0x1] =	wrdreg $0xFFFFFFFF  }
0xcf: {  	_ =	task.clear_ibuf [dreg:s22], $0x2FFFF;
	_ =	strace $0x9FFFFFFF  }
0xd0: {  	(tm) =	ssettm $0x7FFFFFFF  }
0xd1: {  	_ =	shalt  }
tec
execute0_lowered:
.L_overlay_start_1:
0x0: {  	(tag) =	ssettag $0x1  }
0x1: {  	s1 =	srdreg.scid  }
0x2: {  	s0 =	stileid.u32;
	s14 =	sand.u32 $0x1, s1  }
0x3: {  	s29 =	sshll.u32 s0, $0xA;
	s2 =	sshll.u32 s14, $0x9  }
0x4: {  	s15 =	rddreg [dreg:$0x0];
	s16 =	sor.u32 s2, s29  }
0x5: {  	s1 =	rddreg [dreg:$0x1];
	s2 =	simm.s32 $0x0;
	s3 =	sshrl.u32 s16, $0x3  }
0x6: {  	[smem:$0x7FF] =	sst s2;
	s3 =	sadd.s32 s3, s15  }
0x7: {  	_ =	strace $0x8000004A;
	s4 =	sadd.s32 $0x273A00, s3;
	s3 =	simm.s32 $0x2  }
0x8: {  	[tilespmem:s2], [sflag:$0x2] =	stream.linear.gather [hbm4b:s4+s2], $0x200, $0x38;
	[tilespmem:$0x10200] =	vst v63  }
0x9: {  	_ =	swait.ge [sflag:s3], $0x200  }
0xa: {  	s6 =	simm.s32 $0x80;
	[sflag:s3] =	ssyncset.done $0x0  }
0xb: {  	s7 =	simm.s32 $0x200;
	s5 =	sadd.s32 $0x233A00, s15;
	[sflag:s3] =	ssyncadd.s32 $0xFFFFFE00  }
0xc: {  	[tilespmem:s7], [sflag:$0x1] =	stream.indirect.gather [hbm4b:s5+s6], $0x80, s2, s6, $0xb8;
	[tilespmem:$0x10200] =	vst v63  }
0xd: {  	s8 =	simm.s32 $0x4200  }
0xe: {  	[tilespmem:s8], [sflag:$0x1] =	stream.indirect.gather [hbm4b:s5+s6], $0x80, s6, s6, $0xb8;
	[tilespmem:$0x10200] =	vst v63  }
0xf: {  	s9 =	simm.s32 $0x100;
	s10 =	simm.s32 $0x8200  }
0x10: {  	[tilespmem:s10], [sflag:$0x1] =	stream.indirect.gather [hbm4b:s5+s6], $0x80, s9, s6, $0xb8;
	[tilespmem:$0x10200] =	vst v63  }
0x11: {  	s11 =	simm.s32 $0x180;
	s12 =	simm.s32 $0xC200;
	s13 =	simm.s32 $0x1  }
0x12: {  	[tilespmem:s12], [sflag:$0x1] =	stream.indirect.gather [hbm4b:s5+s6], $0x80, s11, s6, $0xb8;
	[tilespmem:$0x10200] =	vst v63  }
0x13: {  	_ =	swait.ge [sflag:s13], $0x4000  }
0x14: {  	[sflag:s13] =	ssyncset.done $0x0  }
0x15: {  	[sflag:s13] =	ssyncadd.s32 $0xFFFFC000  }
0x16: {  	_ =	swait.ge [sflag:s13], $0x4000  }
0x17: {  	[sflag:s13] =	ssyncset.done $0x0  }
0x18: {  	s14 =	ssub.s32 $0x2, s14;
	[sflag:s13] =	ssyncadd.s32 $0xFFFFC000  }
0x19: {  	s17 =	sshrl.u32 s14, $0x1;
	_ =	swait.ge [sflag:s13], $0x4000  }
0x1a: {  	s30 =	ssub.s32 s14, s17;
	[sflag:s13] =	ssyncset.done $0x0  }
0x1b: {  	s31 =	smax.u32 s30, $0x1;
	[sflag:s13] =	ssyncadd.s32 $0xFFFFC000  }
0x1c: {  	s16 =	sshll.u32 s16, $0x4;
	p0 =	sne.s32 s31, $0x1;
	_ =	swait.ge [sflag:s13], $0x4000  }
.Ltmp0:
0x1d: {  	s15 =	sadd.s32 s16, s15;
	[sflag:s13] =	ssyncset.done $0x0;
	(pc) =	sbr.rel @!p0 .LBB2_2-.Ltmp0, $4  }
0x1e: {  	s14 =	sadd.s32 $0x274200, s15;
	[sflag:s13] =	ssyncadd.s32 $0xFFFFC000  }
0x1f: {  	[hbm4b:s14+s2] =	stream.linear.scatter [tilespmem:s7], [sflag:$0x2], $0x10000, $0x38;
	[tilespmem:$0x10200] =	vst v63  }
0x20: {  	_ =	swait.ge [sflag:s3], $0x10000  }
0x21: {  	s15 =	sadd.s32 $0xFFFFFFFF, s31;
	[sflag:s3] =	ssyncset.done $0x0  }
.LBB2_1:
0x22: {  	p0 =	sne.s32 s15, $0x1;
	s15 =	sadd.s32 $0xFFFFFFFF, s15;
	[sflag:s3] =	ssyncadd.s32 $0xFFFF0000  }
0x23: {  	[tilespmem:s2], [sflag:$0x2] =	stream.linear.gather [hbm4b:s4+s2], $0x200, $0x38;
	[tilespmem:$0x10200] =	vst v63  }
0x24: {  	_ =	swait.ge [sflag:s3], $0x200  }
0x25: {  	[sflag:s3] =	ssyncset.done $0x0  }
0x26: {  	[sflag:s3] =	ssyncadd.s32 $0xFFFFFE00  }
0x27: {  	[tilespmem:s7], [sflag:$0x1] =	stream.indirect.gather [hbm4b:s5+s6], $0x80, s2, s6, $0xb8;
	[tilespmem:$0x10200] =	vst v63  }
0x28: {  	_ = 	snop  }
0x29: {  	[tilespmem:s8], [sflag:$0x1] =	stream.indirect.gather [hbm4b:s5+s6], $0x80, s6, s6, $0xb8;
	[tilespmem:$0x10200] =	vst v63  }
0x2a: {  	_ = 	snop  }
0x2b: {  	[tilespmem:s10], [sflag:$0x1] =	stream.indirect.gather [hbm4b:s5+s6], $0x80, s9, s6, $0xb8;
	[tilespmem:$0x10200] =	vst v63  }
0x2c: {  	_ = 	snop  }
0x2d: {  	[tilespmem:s12], [sflag:$0x1] =	stream.indirect.gather [hbm4b:s5+s6], $0x80, s11, s6, $0xb8;
	[tilespmem:$0x10200] =	vst v63  }
0x2e: {  	_ =	swait.ge [sflag:s13], $0x4000  }
0x2f: {  	[sflag:s13] =	ssyncset.done $0x0  }
0x30: {  	[sflag:s13] =	ssyncadd.s32 $0xFFFFC000  }
0x31: {  	_ =	swait.ge [sflag:s13], $0x4000  }
0x32: {  	[sflag:s13] =	ssyncset.done $0x0  }
0x33: {  	[sflag:s13] =	ssyncadd.s32 $0xFFFFC000  }
0x34: {  	_ =	swait.ge [sflag:s13], $0x4000  }
0x35: {  	[sflag:s13] =	ssyncset.done $0x0  }
0x36: {  	[sflag:s13] =	ssyncadd.s32 $0xFFFFC000  }
0x37: {  	_ =	swait.ge [sflag:s13], $0x4000  }
.Ltmp1:
0x38: {  	[sflag:s13] =	ssyncset.done $0x0;
	(pc) =	sbr.rel @p0 .LBB2_1-.Ltmp1, $4  }
0x39: {  	[sflag:s13] =	ssyncadd.s32 $0xFFFFC000  }
0x3a: {  	[hbm4b:s14+s2] =	stream.linear.scatter [tilespmem:s7], [sflag:$0x2], $0x10000, $0x38;
	[tilespmem:$0x10200] =	vst v63  }
0x3b: {  	_ =	swait.ge [sflag:s3], $0x10000  }
0x3c: {  	[sflag:s3] =	ssyncset.done $0x0  }
.LBB2_2:
0x3d: {  	[sflag:s3] =	ssyncadd.s32 $0xFFFF0000  }
0x3e: {  	_ =	sfence.sel $0x180000  }
0x3f: {  	[bflag:$0x0] =	sbarrier.arrive $0xFFFF  }
0x40: {  	p0 =	sne.s32 s0, $0x0;
	_ =	strace $0x9000004A  }
0x41: {  	s0 =	sadd.s32 @!p0 $0x100000, s1;
	[bflag:$0x2] =	sbarrier.arrive $0xFFFF  }
0x42: {  	[sflag:s0] =	ssyncadd.tile.s32 @!p0 $0x1;
	_ =	shalt  }
.Lfunc_end2:
_tile_overlayer_lowered:
.L_overlay_start_2:
0x43: {  	(tag) =	ssettag $0x2  }
0x44: {  	s0 =	rddreg [dreg:$0x0];
	s2 =	stileid.u32  }
0x45: {  	s1 =	rddreg [dreg:$0x1];
	p0 =	sne.s32 s2, $0x0  }
0x46: {  	s3 =	rddreg [dreg:$0x2];
	[bflag:$0x3] =	sbarrier.arrive $0xFFFF;
	s2 =	simm.s32 @!p0 $0x1C02  }
0x47: {  	[timem:s3], [sflag:s2] =	dma.local @!p0 [hbm:s0], s1  }
0x48: {  	s0 =	simm.s32 @!p0 $0x2  }
0x49: {  	_ =	swait.ge @!p0 [sflag:s0], s1  }
0x4a: {  	s1 =	ssub.s32 @!p0 $0x0, s1;
	[sflag:s0] =	ssyncset.done @!p0 $0x0  }
0x4b: {  	[sflag:s0] =	ssyncadd.s32 @!p0 s1  }
0x4c: {  	[bflag:$0x3] =	sbarrier.arrive $0xFFFF  }
0x4d: {  	_ =	shalt  }

</sc_bundles>
